<compile_context>
chip_gen: v7x
topology: tpu7x:2x2x1
jax: 0.10.2.dev20260603
libtpu: 0.0.44.dev20260713+nightly
codegen_flags: <defaults>
</compile_context>

<pallas_src>
import dataclasses
import functools

import jax
import jax.numpy as jnp
from jax import lax
from jax.experimental import pallas as pl
from jax.experimental.pallas import tpu as pltpu
from jax.experimental.pallas import tpu_sc as plsc

N_NODES = 10000
N_EDGES = 320000
D = 128
G = 128
NW = 32
GROUPS_PER_W = 81
E_PAD = NW * GROUPS_PER_W * G
NBUF = 3
N_ITERS = GROUPS_PER_W // NBUF
ROWS_PER_SUB = 624
ROWS_TAIL = N_NODES - 16 * ROWS_PER_SUB

_f32 = jnp.float32



def _sc_agg_kernel(t_hbm, src_hbm, dst_hbm, norm_hbm, zeros_hbm, out_hbm,
                   src0, src1, src2, dst0, dst1, dst2, nrm0, nrm1, nrm2,
                   rows0, rows1, rows2, agg_sp,
                   gs0, gs1, gs2, ss0, ss1, ss2, ds0, ds1, ds2, isem):
    c = lax.axis_index("c")
    s = lax.axis_index("s")
    wid = s * 2 + c
    srcb = (src0, src1, src2)
    dstb = (dst0, dst1, dst2)
    nrmb = (nrm0, nrm1, nrm2)
    rows = (rows0, rows1, rows2)
    gsem = (gs0, gs1, gs2)
    ssem = (ss0, ss1, ss2)
    dsem = (ds0, ds1, ds2)

    e_base = wid * (GROUPS_PER_W * G)

    def src_sl(g):
        return src_hbm.at[pl.ds(e_base + g * G, G)]

    def dst_sl(g):
        return dst_hbm.at[pl.ds(e_base + g * G, G)]

    def nrm_sl(g):
        return norm_hbm.at[pl.ds(e_base + g * G, G)]

    for k in range(2):
        pltpu.sync_copy(src_sl(k), srcb[k])
        pltpu.sync_copy(nrm_sl(k), nrmb[k])
        pltpu.make_async_copy(dst_sl(k), dstb[k], dsem[k]).start()
        pltpu.make_async_copy(t_hbm.at[srcb[k]], rows[k], gsem[k]).start()

    r0 = s * ROWS_PER_SUB
    pltpu.sync_copy(zeros_hbm.at[pl.ds(r0, ROWS_PER_SUB)],
                    agg_sp.at[pl.ds(r0, ROWS_PER_SUB)])

    @pl.when(s == 15)
    def _():
        pltpu.sync_copy(zeros_hbm.at[pl.ds(16 * ROWS_PER_SUB, ROWS_TAIL)],
                        agg_sp.at[pl.ds(16 * ROWS_PER_SUB, ROWS_TAIL)])

    plsc.subcore_barrier()

    def _scale(buf, nbuf):
        def tile_body(r16, carry):
            for dr in range(4):
                r = r16 + dr
                nb = plsc.load_gather(nbuf, [lax.broadcast(r, (16,))])
                for j in range(8):
                    sl = pl.ds(j * 16, 16)
                    buf[r, sl] = buf[r, sl] * nb
            return carry

        lax.fori_loop(0, G // 4, lambda t, cy: tile_body(t * 4, cy), 0)

    def iter_body(i, carry):
        for k in range(NBUF):
            g = i * NBUF + k
            bp = (k + 2) % NBUF
            gp2 = g + 2
            have_next = gp2 <= GROUPS_PER_W - 1

            @pl.when(have_next)
            def _():
                pltpu.make_async_copy(src_sl(gp2), srcb[bp], isem).start()
                pltpu.make_async_copy(nrm_sl(gp2), nrmb[bp], isem).start()

            pltpu.make_async_copy(t_hbm.at[srcb[k]], rows[k],
                                  gsem[k]).wait()
            _scale(rows[k], nrmb[k])
            pltpu.make_async_copy(dst_sl(g), dstb[k], dsem[k]).wait()
            pltpu.make_async_copy(rows[k], agg_sp.at[dstb[k]],
                                  ssem[k]).start(add=True)

            @pl.when(g >= 1)
            def _():
                pltpu.make_async_copy(rows[bp], agg_sp.at[dstb[bp]],
                                      ssem[bp]).wait()

            @pl.when(have_next)
            def _():
                pltpu.make_async_copy(dst_sl(gp2), dstb[bp],
                                      dsem[bp]).start()
                pltpu.make_async_copy(src_sl(gp2), srcb[bp], isem).wait()
                pltpu.make_async_copy(nrm_sl(gp2), nrmb[bp], isem).wait()
                pltpu.make_async_copy(t_hbm.at[srcb[bp]], rows[bp],
                                      gsem[bp]).start()
        return carry

    lax.fori_loop(0, N_ITERS, iter_body, 0)

    kl = (GROUPS_PER_W - 1) % NBUF
    pltpu.make_async_copy(rows[kl], agg_sp.at[dstb[kl]], ssem[kl]).wait()

    plsc.subcore_barrier()
    pltpu.sync_copy(agg_sp.at[pl.ds(r0, ROWS_PER_SUB)],
                    out_hbm.at[c].at[pl.ds(r0, ROWS_PER_SUB)])

    @pl.when(s == 15)
    def _():
        pltpu.sync_copy(agg_sp.at[pl.ds(16 * ROWS_PER_SUB, ROWS_TAIL)],
                        out_hbm.at[c].at[pl.ds(16 * ROWS_PER_SUB, ROWS_TAIL)])


@jax.jit
def _sc_aggregate(t, src_e, dst_e, norm_e, zeros):
    mesh = plsc.VectorSubcoreMesh(core_axis_name="c", subcore_axis_name="s")
    cp = pltpu.CompilerParams()
    if "needs_layout_passes" in pltpu.CompilerParams.__dataclass_fields__:
        cp = dataclasses.replace(cp, needs_layout_passes=False)
    kfn = pl.kernel(
        _sc_agg_kernel,
        out_type=jax.ShapeDtypeStruct((2, N_NODES, D), _f32),
        mesh=mesh,
        scratch_types=(
            [pltpu.VMEM((G,), jnp.int32) for _ in range(3)]
            + [pltpu.VMEM((G,), jnp.int32) for _ in range(3)]
            + [pltpu.VMEM((G,), _f32) for _ in range(3)]
            + [pltpu.VMEM((G, D), _f32) for _ in range(3)]
            + [pltpu.VMEM_SHARED((N_NODES, D), _f32)]
            + [pltpu.SemaphoreType.DMA for _ in range(10)]
        ),
        compiler_params=cp,
    )
    return kfn(t, src_e, dst_e, norm_e, zeros)



def _mm_first_kernel(x_ref, w_ref, o_ref):
    o_ref[...] = jnp.dot(x_ref[...], w_ref[...],
                         preferred_element_type=_f32)


def _mm_mid_kernel(p_ref, b_ref, w_ref, o_ref):
    h = jax.nn.relu(p_ref[0] + p_ref[1] + b_ref[...])
    o_ref[...] = jnp.dot(h, w_ref[...], preferred_element_type=_f32)


def _head_kernel(p_ref, b_ref, fcw_ref, fcb_ref, h_ref, y_ref):
    h = p_ref[0] + p_ref[1] + b_ref[...]
    h_ref[...] = h
    y = jnp.dot(h, fcw_ref[...], preferred_element_type=_f32)
    y = y + fcb_ref[...]
    m = jnp.max(y, axis=1, keepdims=True)
    e = jnp.exp(y - m)
    lse = jnp.log(jnp.sum(e, axis=1, keepdims=True)) + m
    y_ref[...] = y - lse


def _mm_first(x, w):
    return pl.pallas_call(
        _mm_first_kernel,
        out_shape=jax.ShapeDtypeStruct((x.shape[0], w.shape[1]), _f32),
    )(x, w)


def _mm_mid(p, b, w):
    return pl.pallas_call(
        _mm_mid_kernel,
        out_shape=jax.ShapeDtypeStruct((p.shape[1], w.shape[1]), _f32),
    )(p, b.reshape(1, -1), w)


def _head(p, b, fcW, fcb):
    return pl.pallas_call(
        _head_kernel,
        out_shape=(jax.ShapeDtypeStruct((p.shape[1], D), _f32),
                   jax.ShapeDtypeStruct((p.shape[1], fcW.shape[1]), _f32)),
    )(p, b.reshape(1, -1), fcW, fcb.reshape(1, -1))



def kernel(x, edge_index, edge_weight, W1, b1, W2, b2, W3, b3, fcW, fcb):
    pad = E_PAD - N_EDGES
    pad_idx = (jnp.arange(pad, dtype=jnp.int32) * 13) % N_NODES
    src_e = jnp.concatenate([edge_index[0], pad_idx])
    dst_e = jnp.concatenate([edge_index[1], pad_idx])
    norm_e = jnp.concatenate([edge_weight, jnp.zeros((pad,), _f32)])
    zeros = jnp.zeros((N_NODES, D), _f32)

    t1 = _mm_first(x, W1)
    p1 = _sc_aggregate(t1, src_e, dst_e, norm_e, zeros)
    t2 = _mm_mid(p1, b1, W2)
    p2 = _sc_aggregate(t2, src_e, dst_e, norm_e, zeros)
    t3 = _mm_mid(p2, b2, W3)
    p3 = _sc_aggregate(t3, src_e, dst_e, norm_e, zeros)
    h, y = _head(p3, b3, fcW, fcb)
    return h, y

# --- scband reference (transcript-rebuilt; emitter-appended) ---
"""Pipeline reference for scband-digcn-batch-29454885716515 (READ-ONLY COPY).

The authoritative reference and input builder live on the scoring server;
editing this copy changes nothing except your own understanding.
"""

import jax, jax.numpy as jnp
import numpy as np

N_NODES = 10000
N_EDGES = 320000
D_IN = 128
D_HID = 128
D_EMB = 128
D_OUT = 40


def _glorot(key, shape):
    fan_in, fan_out = shape[0], shape[1]
    limit = jnp.sqrt(6.0 / (fan_in + fan_out))
    return jax.random.uniform(key, shape, dtype=jnp.float32, minval=-limit, maxval=limit)


def setup_inputs(seed: int = 0) -> dict:
    key = jax.random.key(seed)
    ks = jax.random.split(key, 10)
    x = jax.random.normal(ks[0], (N_NODES, D_IN), dtype=jnp.float32)
    edge_index = jax.random.randint(ks[1], (2, N_EDGES), 0, N_NODES, dtype=jnp.int64 if jax.config.jax_enable_x64 else jnp.int32).astype(jnp.int32)
    edge_weight = jax.random.uniform(ks[2], (N_EDGES,), dtype=jnp.float32)
    W1 = _glorot(ks[3], (D_IN, D_HID))
    b1 = jnp.zeros((D_HID,), dtype=jnp.float32)
    W2 = _glorot(ks[4], (D_HID, D_HID))
    b2 = jnp.zeros((D_HID,), dtype=jnp.float32)
    W3 = _glorot(ks[5], (D_HID, D_EMB))
    b3 = jnp.zeros((D_EMB,), dtype=jnp.float32)
    fcW = _glorot(ks[6], (D_EMB, D_OUT))
    fcb = jnp.zeros((D_OUT,), dtype=jnp.float32)
    return {"x": x, "edge_index": edge_index, "edge_weight": edge_weight,
            "W1": W1, "b1": b1, "W2": W2, "b2": b2, "W3": W3, "b3": b3,
            "fcW": fcW, "fcb": fcb}


def _digcn_conv(h, edge_index, norm, W, b):
    # x = x @ weight
    h = jnp.matmul(h, W)
    # message: norm.view(-1,1) * x_j  (x_j = source node features)
    src = edge_index[0]
    dst = edge_index[1]
    msg = norm[:, None] * jnp.take(h, src, axis=0)
    # aggregate: scatter-add to destination nodes
    agg = jax.ops.segment_sum(msg, dst, num_segments=h.shape[0])
    # update: add bias
    return agg + b


def reference(x, edge_index, edge_weight, W1, b1, W2, b2, W3, b3, fcW, fcb):
    # layer 1 + relu (dropout inactive in eval mode)
    h = jax.nn.relu(_digcn_conv(x, edge_index, edge_weight, W1, b1))
    # layer 2 + relu
    h = jax.nn.relu(_digcn_conv(h, edge_index, edge_weight, W2, b2))
    # final conv layer (no relu)
    h = _digcn_conv(h, edge_index, edge_weight, W3, b3)
    # fc head
    y = jnp.matmul(h, fcW) + fcb
    return h, jax.nn.log_softmax(y, axis=1)

if __name__ == "__main__":
    import jax
    _d = setup_inputs()
    print(jax.jit(kernel)(*tuple(_d.values())))

</pallas_src>

<mosaic_0001>
#map = affine_map<(d0, d1) -> (0, 0)>
#map1 = affine_map<(d0, d1) -> (0)>
#map2 = affine_map<(d0, d1) -> (0, 0, 0)>
module attributes {stable_mosaic.version = 14 : i64} {
  func.func @_sc_agg_kernel(%arg0: i32, %arg1: i32, %arg2: memref<10000x128xf32, #tpu.memory_space<hbm>>, %arg3: memref<331776xi32, #tpu.memory_space<hbm>>, %arg4: memref<331776xi32, #tpu.memory_space<hbm>>, %arg5: memref<331776xf32, #tpu.memory_space<hbm>>, %arg6: memref<10000x128xf32, #tpu.memory_space<hbm>>, %arg7: memref<2x10000x128xf32, #tpu.memory_space<hbm>>, %arg8: memref<128xi32, #tpu.memory_space<vmem>>, %arg9: memref<128xi32, #tpu.memory_space<vmem>>, %arg10: memref<128xi32, #tpu.memory_space<vmem>>, %arg11: memref<128xi32, #tpu.memory_space<vmem>>, %arg12: memref<128xi32, #tpu.memory_space<vmem>>, %arg13: memref<128xi32, #tpu.memory_space<vmem>>, %arg14: memref<128xf32, #tpu.memory_space<vmem>>, %arg15: memref<128xf32, #tpu.memory_space<vmem>>, %arg16: memref<128xf32, #tpu.memory_space<vmem>>, %arg17: memref<128x128xf32, #tpu.memory_space<vmem>>, %arg18: memref<128x128xf32, #tpu.memory_space<vmem>>, %arg19: memref<128x128xf32, #tpu.memory_space<vmem>>, %arg20: memref<10000x128xf32, #tpu.memory_space<vmem_shared>>, %arg21: memref<!tpu.dma_semaphore, #tpu.memory_space<semaphore_mem>>, %arg22: memref<!tpu.dma_semaphore, #tpu.memory_space<semaphore_mem>>, %arg23: memref<!tpu.dma_semaphore, #tpu.memory_space<semaphore_mem>>, %arg24: memref<!tpu.dma_semaphore, #tpu.memory_space<semaphore_mem>>, %arg25: memref<!tpu.dma_semaphore, #tpu.memory_space<semaphore_mem>>, %arg26: memref<!tpu.dma_semaphore, #tpu.memory_space<semaphore_mem>>, %arg27: memref<!tpu.dma_semaphore, #tpu.memory_space<semaphore_mem>>, %arg28: memref<!tpu.dma_semaphore, #tpu.memory_space<semaphore_mem>>, %arg29: memref<!tpu.dma_semaphore, #tpu.memory_space<semaphore_mem>>, %arg30: memref<!tpu.dma_semaphore, #tpu.memory_space<semaphore_mem>>) attributes {dimension_semantics = [#tpu.dimension_semantics<core_parallel>, #tpu.dimension_semantics<subcore_parallel>], iteration_bounds = array<i64: 2, 16>, scalar_prefetch = 0 : i64, scratch_operands = 23 : i64, tpu.core_type = #tpu.core_type<sc_vector_subcore>, window_params = [{transform_indices = #map}, {transform_indices = #map1}, {transform_indices = #map1}, {transform_indices = #map1}, {transform_indices = #map}, {transform_indices = #map2}]} {
    %mul3A = arith.constant 2 : i32
    %mul3A_0 = arith.muli %arg1, %mul3A : i32
    %add3A = arith.addi %mul3A_0, %arg0 : i32
    %mul3A_1 = arith.constant 10368 : i32
    %mul3A_2 = arith.muli %add3A, %mul3A_1 : i32
    %add3A_3 = arith.constant 0 : i32
    %add3A_4 = arith.addi %mul3A_2, %add3A_3 : i32
    "tpu.region"() ({
      %run_scoped3A = tpu.sem_alloc : memref<!tpu.dma_semaphore, #tpu.memory_space<semaphore_mem>>
      %dma_start3A_41 = tpu.memref_slice %arg3[%add3A_4] : memref<331776xi32, #tpu.memory_space<hbm>> -> memref<128xi32, #tpu.memory_space<hbm>>
      %dma_start3A_42 = tpu.memref_slice %arg3[%add3A_4] : memref<331776xi32, #tpu.memory_space<hbm>> -> memref<128xi32, #tpu.memory_space<hbm>>
      tpu.enqueue_dma source(%dma_start3A_42 : memref<128xi32, #tpu.memory_space<hbm>>) target(%arg8 : memref<128xi32, #tpu.memory_space<vmem>>) target_semaphore(%run_scoped3A : memref<!tpu.dma_semaphore, #tpu.memory_space<semaphore_mem>>)
      %dma_wait3A_43 = tpu.memref_slice %arg3[%add3A_4] : memref<331776xi32, #tpu.memory_space<hbm>> -> memref<128xi32, #tpu.memory_space<hbm>>
      %dma_wait3A_44 = tpu.memref_slice %arg3[%add3A_4] : memref<331776xi32, #tpu.memory_space<hbm>> -> memref<128xi32, #tpu.memory_space<hbm>>
      tpu.wait_dma2 semaphore(%run_scoped3A : memref<!tpu.dma_semaphore, #tpu.memory_space<semaphore_mem>>) src(%dma_wait3A_44 : memref<128xi32, #tpu.memory_space<hbm>>) dst(%arg8 : memref<128xi32, #tpu.memory_space<vmem>>)
      tpu.yield
    }) : () -> ()
    %add3A_5 = arith.constant 0 : i32
    %add3A_6 = arith.addi %mul3A_2, %add3A_5 : i32
    "tpu.region"() ({
      %run_scoped3A = tpu.sem_alloc : memref<!tpu.dma_semaphore, #tpu.memory_space<semaphore_mem>>
      %dma_start3A_41 = tpu.memref_slice %arg5[%add3A_6] : memref<331776xf32, #tpu.memory_space<hbm>> -> memref<128xf32, #tpu.memory_space<hbm>>
      %dma_start3A_42 = tpu.memref_slice %arg5[%add3A_6] : memref<331776xf32, #tpu.memory_space<hbm>> -> memref<128xf32, #tpu.memory_space<hbm>>
      tpu.enqueue_dma source(%dma_start3A_42 : memref<128xf32, #tpu.memory_space<hbm>>) target(%arg14 : memref<128xf32, #tpu.memory_space<vmem>>) target_semaphore(%run_scoped3A : memref<!tpu.dma_semaphore, #tpu.memory_space<semaphore_mem>>)
      %dma_wait3A_43 = tpu.memref_slice %arg5[%add3A_6] : memref<331776xf32, #tpu.memory_space<hbm>> -> memref<128xf32, #tpu.memory_space<hbm>>
      %dma_wait3A_44 = tpu.memref_slice %arg5[%add3A_6] : memref<331776xf32, #tpu.memory_space<hbm>> -> memref<128xf32, #tpu.memory_space<hbm>>
      tpu.wait_dma2 semaphore(%run_scoped3A : memref<!tpu.dma_semaphore, #tpu.memory_space<semaphore_mem>>) src(%dma_wait3A_44 : memref<128xf32, #tpu.memory_space<hbm>>) dst(%arg14 : memref<128xf32, #tpu.memory_space<vmem>>)
      tpu.yield
    }) : () -> ()
    %add3A_7 = arith.constant 0 : i32
    %add3A_8 = arith.addi %mul3A_2, %add3A_7 : i32
    %dma_start3A = tpu.memref_slice %arg4[%add3A_8] : memref<331776xi32, #tpu.memory_space<hbm>> -> memref<128xi32, #tpu.memory_space<hbm>>
    %dma_start3A_9 = tpu.memref_slice %arg4[%add3A_8] : memref<331776xi32, #tpu.memory_space<hbm>> -> memref<128xi32, #tpu.memory_space<hbm>>
    tpu.enqueue_dma source(%dma_start3A_9 : memref<128xi32, #tpu.memory_space<hbm>>) target(%arg11 : memref<128xi32, #tpu.memory_space<vmem>>) target_semaphore(%arg27 : memref<!tpu.dma_semaphore, #tpu.memory_space<semaphore_mem>>)
    %dma_start3A_10 = arith.constant 0 : i32
    %dma_start3A_11 = arith.constant 0 : i32
    %dma_start3A_12 = tpu.memref_slice %arg2[%dma_start3A_10, %dma_start3A_11] : memref<10000x128xf32, #tpu.memory_space<hbm>> -> memref<10000x128xf32, #tpu.memory_space<hbm>>
    tpu.enqueue_indirect_dma source(%dma_start3A_12 : memref<10000x128xf32, #tpu.memory_space<hbm>>) target(%arg17 : memref<128x128xf32, #tpu.memory_space<vmem>>) offsets(%arg8 : memref<128xi32, #tpu.memory_space<vmem>>) semaphore(%arg21 : memref<!tpu.dma_semaphore, #tpu.memory_space<semaphore_mem>>)
    %add3A_13 = arith.constant 128 : i32
    %add3A_14 = arith.addi %mul3A_2, %add3A_13 : i32
    "tpu.region"() ({
      %run_scoped3A = tpu.sem_alloc : memref<!tpu.dma_semaphore, #tpu.memory_space<semaphore_mem>>
      %dma_start3A_41 = tpu.memref_slice %arg3[%add3A_14] : memref<331776xi32, #tpu.memory_space<hbm>> -> memref<128xi32, #tpu.memory_space<hbm>>
      %dma_start3A_42 = tpu.memref_slice %arg3[%add3A_14] : memref<331776xi32, #tpu.memory_space<hbm>> -> memref<128xi32, #tpu.memory_space<hbm>>
      tpu.enqueue_dma source(%dma_start3A_42 : memref<128xi32, #tpu.memory_space<hbm>>) target(%arg9 : memref<128xi32, #tpu.memory_space<vmem>>) target_semaphore(%run_scoped3A : memref<!tpu.dma_semaphore, #tpu.memory_space<semaphore_mem>>)
      %dma_wait3A_43 = tpu.memref_slice %arg3[%add3A_14] : memref<331776xi32, #tpu.memory_space<hbm>> -> memref<128xi32, #tpu.memory_space<hbm>>
      %dma_wait3A_44 = tpu.memref_slice %arg3[%add3A_14] : memref<331776xi32, #tpu.memory_space<hbm>> -> memref<128xi32, #tpu.memory_space<hbm>>
      tpu.wait_dma2 semaphore(%run_scoped3A : memref<!tpu.dma_semaphore, #tpu.memory_space<semaphore_mem>>) src(%dma_wait3A_44 : memref<128xi32, #tpu.memory_space<hbm>>) dst(%arg9 : memref<128xi32, #tpu.memory_space<vmem>>)
      tpu.yield
    }) : () -> ()
    %add3A_15 = arith.constant 128 : i32
    %add3A_16 = arith.addi %mul3A_2, %add3A_15 : i32
    "tpu.region"() ({
      %run_scoped3A = tpu.sem_alloc : memref<!tpu.dma_semaphore, #tpu.memory_space<semaphore_mem>>
      %dma_start3A_41 = tpu.memref_slice %arg5[%add3A_16] : memref<331776xf32, #tpu.memory_space<hbm>> -> memref<128xf32, #tpu.memory_space<hbm>>
      %dma_start3A_42 = tpu.memref_slice %arg5[%add3A_16] : memref<331776xf32, #tpu.memory_space<hbm>> -> memref<128xf32, #tpu.memory_space<hbm>>
      tpu.enqueue_dma source(%dma_start3A_42 : memref<128xf32, #tpu.memory_space<hbm>>) target(%arg15 : memref<128xf32, #tpu.memory_space<vmem>>) target_semaphore(%run_scoped3A : memref<!tpu.dma_semaphore, #tpu.memory_space<semaphore_mem>>)
      %dma_wait3A_43 = tpu.memref_slice %arg5[%add3A_16] : memref<331776xf32, #tpu.memory_space<hbm>> -> memref<128xf32, #tpu.memory_space<hbm>>
      %dma_wait3A_44 = tpu.memref_slice %arg5[%add3A_16] : memref<331776xf32, #tpu.memory_space<hbm>> -> memref<128xf32, #tpu.memory_space<hbm>>
      tpu.wait_dma2 semaphore(%run_scoped3A : memref<!tpu.dma_semaphore, #tpu.memory_space<semaphore_mem>>) src(%dma_wait3A_44 : memref<128xf32, #tpu.memory_space<hbm>>) dst(%arg15 : memref<128xf32, #tpu.memory_space<vmem>>)
      tpu.yield
    }) : () -> ()
    %add3A_17 = arith.constant 128 : i32
    %add3A_18 = arith.addi %mul3A_2, %add3A_17 : i32
    %dma_start3A_19 = tpu.memref_slice %arg4[%add3A_18] : memref<331776xi32, #tpu.memory_space<hbm>> -> memref<128xi32, #tpu.memory_space<hbm>>
    %dma_start3A_20 = tpu.memref_slice %arg4[%add3A_18] : memref<331776xi32, #tpu.memory_space<hbm>> -> memref<128xi32, #tpu.memory_space<hbm>>
    tpu.enqueue_dma source(%dma_start3A_20 : memref<128xi32, #tpu.memory_space<hbm>>) target(%arg12 : memref<128xi32, #tpu.memory_space<vmem>>) target_semaphore(%arg28 : memref<!tpu.dma_semaphore, #tpu.memory_space<semaphore_mem>>)
    %dma_start3A_21 = arith.constant 0 : i32
    %dma_start3A_22 = arith.constant 0 : i32
    %dma_start3A_23 = tpu.memref_slice %arg2[%dma_start3A_21, %dma_start3A_22] : memref<10000x128xf32, #tpu.memory_space<hbm>> -> memref<10000x128xf32, #tpu.memory_space<hbm>>
    tpu.enqueue_indirect_dma source(%dma_start3A_23 : memref<10000x128xf32, #tpu.memory_space<hbm>>) target(%arg18 : memref<128x128xf32, #tpu.memory_space<vmem>>) offsets(%arg9 : memref<128xi32, #tpu.memory_space<vmem>>) semaphore(%arg22 : memref<!tpu.dma_semaphore, #tpu.memory_space<semaphore_mem>>)
    %mul3A_24 = arith.constant 624 : i32
    %mul3A_25 = arith.muli %arg1, %mul3A_24 : i32
    "tpu.region"() ({
      %run_scoped3A = tpu.sem_alloc : memref<!tpu.dma_semaphore, #tpu.memory_space<semaphore_mem>>
      %dma_start3A_41 = arith.constant 0 : i32
      %dma_start3A_42 = tpu.memref_slice %arg20[%mul3A_25, %dma_start3A_41] : memref<10000x128xf32, #tpu.memory_space<vmem_shared>> -> memref<624x128xf32, #tpu.memory_space<vmem_shared>>
      %dma_start3A_43 = arith.constant 0 : i32
      %dma_start3A_44 = tpu.memref_slice %arg6[%mul3A_25, %dma_start3A_43] : memref<10000x128xf32, #tpu.memory_space<hbm>> -> memref<624x128xf32, #tpu.memory_space<hbm>>
      tpu.enqueue_dma source(%dma_start3A_44 : memref<624x128xf32, #tpu.memory_space<hbm>>) target(%dma_start3A_42 : memref<624x128xf32, #tpu.memory_space<vmem_shared>>) target_semaphore(%run_scoped3A : memref<!tpu.dma_semaphore, #tpu.memory_space<semaphore_mem>>)
      %dma_wait3A_45 = arith.constant 0 : i32
      %dma_wait3A_46 = tpu.memref_slice %arg20[%mul3A_25, %dma_wait3A_45] : memref<10000x128xf32, #tpu.memory_space<vmem_shared>> -> memref<624x128xf32, #tpu.memory_space<vmem_shared>>
      %dma_wait3A_47 = arith.constant 0 : i32
      %dma_wait3A_48 = tpu.memref_slice %arg6[%mul3A_25, %dma_wait3A_47] : memref<10000x128xf32, #tpu.memory_space<hbm>> -> memref<624x128xf32, #tpu.memory_space<hbm>>
      tpu.wait_dma2 semaphore(%run_scoped3A : memref<!tpu.dma_semaphore, #tpu.memory_space<semaphore_mem>>) src(%dma_wait3A_48 : memref<624x128xf32, #tpu.memory_space<hbm>>) dst(%dma_wait3A_46 : memref<624x128xf32, #tpu.memory_space<vmem_shared>>)
      tpu.yield
    }) : () -> ()
    %eq3A = arith.constant 15 : i32
    %eq3A_26 = arith.cmpi eq, %arg1, %eq3A : i32
    %convert_element_type3A = arith.extui %eq3A_26 : i1 to i32
    %cond3A = arith.constant 0 : i32
    %cond3A_27 = arith.cmpi ne, %convert_element_type3A, %cond3A : i32
    scf.if %cond3A_27 {
      "tpu.region"() ({
        %run_scoped3A = tpu.sem_alloc : memref<!tpu.dma_semaphore, #tpu.memory_space<semaphore_mem>>
        %dma_start3A_41 = arith.constant 9984 : i32
        %dma_start3A_42 = arith.constant 0 : i32
        %dma_start3A_43 = tpu.memref_slice %arg20[%dma_start3A_41, %dma_start3A_42] : memref<10000x128xf32, #tpu.memory_space<vmem_shared>> -> memref<16x128xf32, #tpu.memory_space<vmem_shared>>
        %dma_start3A_44 = arith.constant 9984 : i32
        %dma_start3A_45 = arith.constant 0 : i32
        %dma_start3A_46 = tpu.memref_slice %arg6[%dma_start3A_44, %dma_start3A_45] : memref<10000x128xf32, #tpu.memory_space<hbm>> -> memref<16x128xf32, #tpu.memory_space<hbm>>
        tpu.enqueue_dma source(%dma_start3A_46 : memref<16x128xf32, #tpu.memory_space<hbm>>) target(%dma_start3A_43 : memref<16x128xf32, #tpu.memory_space<vmem_shared>>) target_semaphore(%run_scoped3A : memref<!tpu.dma_semaphore, #tpu.memory_space<semaphore_mem>>)
        %dma_wait3A_47 = arith.constant 9984 : i32
        %dma_wait3A_48 = arith.constant 0 : i32
        %dma_wait3A_49 = tpu.memref_slice %arg20[%dma_wait3A_47, %dma_wait3A_48] : memref<10000x128xf32, #tpu.memory_space<vmem_shared>> -> memref<16x128xf32, #tpu.memory_space<vmem_shared>>
        %dma_wait3A_50 = arith.constant 9984 : i32
        %dma_wait3A_51 = arith.constant 0 : i32
        %dma_wait3A_52 = tpu.memref_slice %arg6[%dma_wait3A_50, %dma_wait3A_51] : memref<10000x128xf32, #tpu.memory_space<hbm>> -> memref<16x128xf32, #tpu.memory_space<hbm>>
        tpu.wait_dma2 semaphore(%run_scoped3A : memref<!tpu.dma_semaphore, #tpu.memory_space<semaphore_mem>>) src(%dma_wait3A_52 : memref<16x128xf32, #tpu.memory_space<hbm>>) dst(%dma_wait3A_49 : memref<16x128xf32, #tpu.memory_space<vmem_shared>>)
        tpu.yield
      }) : () -> ()
    } else {
    }
    %barrier3A = arith.constant 0 : index
    tpu.barrier barrier_id(%barrier3A)
    %scan3A = arith.constant 0 : i32
    %scan3A_28 = arith.constant 0 : i32
    %scan3A_29 = arith.constant 27 : i32
    %scan3A_30 = arith.addi %scan3A_28, %scan3A_29 : i32
    %scan3A_31 = arith.constant 1 : i32
    scf.for %scan3A_41 = %scan3A_28 to %scan3A_30 step %scan3A_31  : i32 {
      %mul3A_42 = arith.constant 3 : i32
      %mul3A_43 = arith.muli %scan3A_41, %mul3A_42 : i32
      %add3A_44 = arith.constant 0 : i32
      %add3A_45 = arith.addi %mul3A_43, %add3A_44 : i32
      %add3A_46 = arith.constant 2 : i32
      %add3A_47 = arith.addi %add3A_45, %add3A_46 : i32
      %le3A = arith.constant 80 : i32
      %le3A_48 = arith.cmpi sle, %add3A_47, %le3A : i32
      %convert_element_type3A_49 = arith.extui %le3A_48 : i1 to i32
      %cond3A_50 = arith.constant 0 : i32
      %cond3A_51 = arith.cmpi ne, %convert_element_type3A_49, %cond3A_50 : i32
      scf.if %cond3A_51 {
        %mul3A_148 = arith.constant 128 : i32
        %mul3A_149 = arith.muli %add3A_47, %mul3A_148 : i32
        %add3A_150 = arith.addi %mul3A_2, %mul3A_149 : i32
        %dma_start3A_151 = tpu.memref_slice %arg3[%add3A_150] : memref<331776xi32, #tpu.memory_space<hbm>> -> memref<128xi32, #tpu.memory_space<hbm>>
        %dma_start3A_152 = tpu.memref_slice %arg3[%add3A_150] : memref<331776xi32, #tpu.memory_space<hbm>> -> memref<128xi32, #tpu.memory_space<hbm>>
        tpu.enqueue_dma source(%dma_start3A_152 : memref<128xi32, #tpu.memory_space<hbm>>) target(%arg10 : memref<128xi32, #tpu.memory_space<vmem>>) target_semaphore(%arg30 : memref<!tpu.dma_semaphore, #tpu.memory_space<semaphore_mem>>)
        %mul3A_153 = arith.constant 128 : i32
        %mul3A_154 = arith.muli %add3A_47, %mul3A_153 : i32
        %add3A_155 = arith.addi %mul3A_2, %mul3A_154 : i32
        %dma_start3A_156 = tpu.memref_slice %arg5[%add3A_155] : memref<331776xf32, #tpu.memory_space<hbm>> -> memref<128xf32, #tpu.memory_space<hbm>>
        %dma_start3A_157 = tpu.memref_slice %arg5[%add3A_155] : memref<331776xf32, #tpu.memory_space<hbm>> -> memref<128xf32, #tpu.memory_space<hbm>>
        tpu.enqueue_dma source(%dma_start3A_157 : memref<128xf32, #tpu.memory_space<hbm>>) target(%arg16 : memref<128xf32, #tpu.memory_space<vmem>>) target_semaphore(%arg30 : memref<!tpu.dma_semaphore, #tpu.memory_space<semaphore_mem>>)
      } else {
      }
      %dma_wait3A_52 = arith.constant 0 : i32
      %dma_wait3A_53 = arith.constant 0 : i32
      %dma_wait3A_54 = tpu.memref_slice %arg2[%dma_wait3A_52, %dma_wait3A_53] : memref<10000x128xf32, #tpu.memory_space<hbm>> -> memref<10000x128xf32, #tpu.memory_space<hbm>>
      tpu.wait_indirect_dma semaphore(%arg21 : memref<!tpu.dma_semaphore, #tpu.memory_space<semaphore_mem>>) src(%dma_wait3A_54 : memref<10000x128xf32, #tpu.memory_space<hbm>>) dst(%arg17 : memref<128x128xf32, #tpu.memory_space<vmem>>)
      %scan3A_55 = arith.constant 0 : i32
      %scan3A_56 = arith.constant 0 : i32
      %scan3A_57 = arith.constant 32 : i32
      %scan3A_58 = arith.addi %scan3A_56, %scan3A_57 : i32
      %scan3A_59 = arith.constant 1 : i32
      scf.for %scan3A_148 = %scan3A_56 to %scan3A_58 step %scan3A_59  : i32 {
        %mul3A_149 = arith.constant 4 : i32
        %mul3A_150 = arith.muli %scan3A_148, %mul3A_149 : i32
        %add3A_151 = arith.constant 0 : i32
        %add3A_152 = arith.addi %mul3A_150, %add3A_151 : i32
        %broadcast_in_dim3A = vector.broadcast %add3A_152 : i32 to vector<16xi32>
        %gather3A = tpu.vector_load_idx %arg14[%broadcast_in_dim3A] : memref<128xf32, #tpu.memory_space<vmem>>[vector<16xi32>], vector<16xf32>,
        %get3A = arith.index_cast %add3A_152 : i32 to index
        %get3A_153 = arith.constant 0 : index
        %get3A_154 = tpu.vector_load %arg17[%get3A, %get3A_153] {strides = array<i32>} : memref<128x128xf32, #tpu.memory_space<vmem>>, vector<16xf32>,
        %mul3A_155 = arith.mulf %get3A_154, %gather3A : vector<16xf32>
        %swap3A = arith.index_cast %add3A_152 : i32 to index
        %swap3A_156 = arith.constant 0 : index
        %swap3A_157 = tpu.vector_load %arg17[%swap3A, %swap3A_156] {strides = array<i32>} : memref<128x128xf32, #tpu.memory_space<vmem>>, vector<16xf32>,
        tpu.vector_store %arg17[%swap3A, %swap3A_156], %mul3A_155 {strides = array<i32>} : memref<128x128xf32, #tpu.memory_space<vmem>>, vector<16xf32>,
        %get3A_158 = arith.index_cast %add3A_152 : i32 to index
        %get3A_159 = arith.constant 16 : index
        %get3A_160 = tpu.vector_load %arg17[%get3A_158, %get3A_159] {strides = array<i32>} : memref<128x128xf32, #tpu.memory_space<vmem>>, vector<16xf32>,
        %mul3A_161 = arith.mulf %get3A_160, %gather3A : vector<16xf32>
        %swap3A_162 = arith.index_cast %add3A_152 : i32 to index
        %swap3A_163 = arith.constant 16 : index
        %swap3A_164 = tpu.vector_load %arg17[%swap3A_162, %swap3A_163] {strides = array<i32>} : memref<128x128xf32, #tpu.memory_space<vmem>>, vector<16xf32>,
        tpu.vector_store %arg17[%swap3A_162, %swap3A_163], %mul3A_161 {strides = array<i32>} : memref<128x128xf32, #tpu.memory_space<vmem>>, vector<16xf32>,
        %get3A_165 = arith.index_cast %add3A_152 : i32 to index
        %get3A_166 = arith.constant 32 : index
        %get3A_167 = tpu.vector_load %arg17[%get3A_165, %get3A_166] {strides = array<i32>} : memref<128x128xf32, #tpu.memory_space<vmem>>, vector<16xf32>,
        %mul3A_168 = arith.mulf %get3A_167, %gather3A : vector<16xf32>
        %swap3A_169 = arith.index_cast %add3A_152 : i32 to index
        %swap3A_170 = arith.constant 32 : index
        %swap3A_171 = tpu.vector_load %arg17[%swap3A_169, %swap3A_170] {strides = array<i32>} : memref<128x128xf32, #tpu.memory_space<vmem>>, vector<16xf32>,
        tpu.vector_store %arg17[%swap3A_169, %swap3A_170], %mul3A_168 {strides = array<i32>} : memref<128x128xf32, #tpu.memory_space<vmem>>, vector<16xf32>,
        %get3A_172 = arith.index_cast %add3A_152 : i32 to index
        %get3A_173 = arith.constant 48 : index
        %get3A_174 = tpu.vector_load %arg17[%get3A_172, %get3A_173] {strides = array<i32>} : memref<128x128xf32, #tpu.memory_space<vmem>>, vector<16xf32>,
        %mul3A_175 = arith.mulf %get3A_174, %gather3A : vector<16xf32>
        %swap3A_176 = arith.index_cast %add3A_152 : i32 to index
        %swap3A_177 = arith.constant 48 : index
        %swap3A_178 = tpu.vector_load %arg17[%swap3A_176, %swap3A_177] {strides = array<i32>} : memref<128x128xf32, #tpu.memory_space<vmem>>, vector<16xf32>,
        tpu.vector_store %arg17[%swap3A_176, %swap3A_177], %mul3A_175 {strides = array<i32>} : memref<128x128xf32, #tpu.memory_space<vmem>>, vector<16xf32>,
        %get3A_179 = arith.index_cast %add3A_152 : i32 to index
        %get3A_180 = arith.constant 64 : index
        %get3A_181 = tpu.vector_load %arg17[%get3A_179, %get3A_180] {strides = array<i32>} : memref<128x128xf32, #tpu.memory_space<vmem>>, vector<16xf32>,
        %mul3A_182 = arith.mulf %get3A_181, %gather3A : vector<16xf32>
        %swap3A_183 = arith.index_cast %add3A_152 : i32 to index
        %swap3A_184 = arith.constant 64 : index
        %swap3A_185 = tpu.vector_load %arg17[%swap3A_183, %swap3A_184] {strides = array<i32>} : memref<128x128xf32, #tpu.memory_space<vmem>>, vector<16xf32>,
        tpu.vector_store %arg17[%swap3A_183, %swap3A_184], %mul3A_182 {strides = array<i32>} : memref<128x128xf32, #tpu.memory_space<vmem>>, vector<16xf32>,
        %get3A_186 = arith.index_cast %add3A_152 : i32 to index
        %get3A_187 = arith.constant 80 : index
        %get3A_188 = tpu.vector_load %arg17[%get3A_186, %get3A_187] {strides = array<i32>} : memref<128x128xf32, #tpu.memory_space<vmem>>, vector<16xf32>,
        %mul3A_189 = arith.mulf %get3A_188, %gather3A : vector<16xf32>
        %swap3A_190 = arith.index_cast %add3A_152 : i32 to index
        %swap3A_191 = arith.constant 80 : index
        %swap3A_192 = tpu.vector_load %arg17[%swap3A_190, %swap3A_191] {strides = array<i32>} : memref<128x128xf32, #tpu.memory_space<vmem>>, vector<16xf32>,
        tpu.vector_store %arg17[%swap3A_190, %swap3A_191], %mul3A_189 {strides = array<i32>} : memref<128x128xf32, #tpu.memory_space<vmem>>, vector<16xf32>,
        %get3A_193 = arith.index_cast %add3A_152 : i32 to index
        %get3A_194 = arith.constant 96 : index
        %get3A_195 = tpu.vector_load %arg17[%get3A_193, %get3A_194] {strides = array<i32>} : memref<128x128xf32, #tpu.memory_space<vmem>>, vector<16xf32>,
        %mul3A_196 = arith.mulf %get3A_195, %gather3A : vector<16xf32>
        %swap3A_197 = arith.index_cast %add3A_152 : i32 to index
        %swap3A_198 = arith.constant 96 : index
        %swap3A_199 = tpu.vector_load %arg17[%swap3A_197, %swap3A_198] {strides = array<i32>} : memref<128x128xf32, #tpu.memory_space<vmem>>, vector<16xf32>,
        tpu.vector_store %arg17[%swap3A_197, %swap3A_198], %mul3A_196 {strides = array<i32>} : memref<128x128xf32, #tpu.memory_space<vmem>>, vector<16xf32>,
        %get3A_200 = arith.index_cast %add3A_152 : i32 to index
        %get3A_201 = arith.constant 112 : index
        %get3A_202 = tpu.vector_load %arg17[%get3A_200, %get3A_201] {strides = array<i32>} : memref<128x128xf32, #tpu.memory_space<vmem>>, vector<16xf32>,
        %mul3A_203 = arith.mulf %get3A_202, %gather3A : vector<16xf32>
        %swap3A_204 = arith.index_cast %add3A_152 : i32 to index
        %swap3A_205 = arith.constant 112 : index
        %swap3A_206 = tpu.vector_load %arg17[%swap3A_204, %swap3A_205] {strides = array<i32>} : memref<128x128xf32, #tpu.memory_space<vmem>>, vector<16xf32>,
        tpu.vector_store %arg17[%swap3A_204, %swap3A_205], %mul3A_203 {strides = array<i32>} : memref<128x128xf32, #tpu.memory_space<vmem>>, vector<16xf32>,
        %add3A_207 = arith.constant 1 : i32
        %add3A_208 = arith.addi %mul3A_150, %add3A_207 : i32
        %broadcast_in_dim3A_209 = vector.broadcast %add3A_208 : i32 to vector<16xi32>
        %gather3A_210 = tpu.vector_load_idx %arg14[%broadcast_in_dim3A_209] : memref<128xf32, #tpu.memory_space<vmem>>[vector<16xi32>], vector<16xf32>,
        %get3A_211 = arith.index_cast %add3A_208 : i32 to index
        %get3A_212 = arith.constant 0 : index
        %get3A_213 = tpu.vector_load %arg17[%get3A_211, %get3A_212] {strides = array<i32>} : memref<128x128xf32, #tpu.memory_space<vmem>>, vector<16xf32>,
        %mul3A_214 = arith.mulf %get3A_213, %gather3A_210 : vector<16xf32>
        %swap3A_215 = arith.index_cast %add3A_208 : i32 to index
        %swap3A_216 = arith.constant 0 : index
        %swap3A_217 = tpu.vector_load %arg17[%swap3A_215, %swap3A_216] {strides = array<i32>} : memref<128x128xf32, #tpu.memory_space<vmem>>, vector<16xf32>,
        tpu.vector_store %arg17[%swap3A_215, %swap3A_216], %mul3A_214 {strides = array<i32>} : memref<128x128xf32, #tpu.memory_space<vmem>>, vector<16xf32>,
        %get3A_218 = arith.index_cast %add3A_208 : i32 to index
        %get3A_219 = arith.constant 16 : index
        %get3A_220 = tpu.vector_load %arg17[%get3A_218, %get3A_219] {strides = array<i32>} : memref<128x128xf32, #tpu.memory_space<vmem>>, vector<16xf32>,
        %mul3A_221 = arith.mulf %get3A_220, %gather3A_210 : vector<16xf32>
        %swap3A_222 = arith.index_cast %add3A_208 : i32 to index
        %swap3A_223 = arith.constant 16 : index
        %swap3A_224 = tpu.vector_load %arg17[%swap3A_222, %swap3A_223] {strides = array<i32>} : memref<128x128xf32, #tpu.memory_space<vmem>>, vector<16xf32>,
        tpu.vector_store %arg17[%swap3A_222, %swap3A_223], %mul3A_221 {strides = array<i32>} : memref<128x128xf32, #tpu.memory_space<vmem>>, vector<16xf32>,
        %get3A_225 = arith.index_cast %add3A_208 : i32 to index
        %get3A_226 = arith.constant 32 : index
        %get3A_227 = tpu.vector_load %arg17[%get3A_225, %get3A_226] {strides = array<i32>} : memref<128x128xf32, #tpu.memory_space<vmem>>, vector<16xf32>,
        %mul3A_228 = arith.mulf %get3A_227, %gather3A_210 : vector<16xf32>
        %swap3A_229 = arith.index_cast %add3A_208 : i32 to index
        %swap3A_230 = arith.constant 32 : index
        %swap3A_231 = tpu.vector_load %arg17[%swap3A_229, %swap3A_230] {strides = array<i32>} : memref<128x128xf32, #tpu.memory_space<vmem>>, vector<16xf32>,
        tpu.vector_store %arg17[%swap3A_229, %swap3A_230], %mul3A_228 {strides = array<i32>} : memref<128x128xf32, #tpu.memory_space<vmem>>, vector<16xf32>,
        %get3A_232 = arith.index_cast %add3A_208 : i32 to index
        %get3A_233 = arith.constant 48 : index
        %get3A_234 = tpu.vector_load %arg17[%get3A_232, %get3A_233] {strides = array<i32>} : memref<128x128xf32, #tpu.memory_space<vmem>>, vector<16xf32>,
        %mul3A_235 = arith.mulf %get3A_234, %gather3A_210 : vector<16xf32>
        %swap3A_236 = arith.index_cast %add3A_208 : i32 to index
        %swap3A_237 = arith.constant 48 : index
        %swap3A_238 = tpu.vector_load %arg17[%swap3A_236, %swap3A_237] {strides = array<i32>} : memref<128x128xf32, #tpu.memory_space<vmem>>, vector<16xf32>,
        tpu.vector_store %arg17[%swap3A_236, %swap3A_237], %mul3A_235 {strides = array<i32>} : memref<128x128xf32, #tpu.memory_space<vmem>>, vector<16xf32>,
        %get3A_239 = arith.index_cast %add3A_208 : i32 to index
        %get3A_240 = arith.constant 64 : index
        %get3A_241 = tpu.vector_load %arg17[%get3A_239, %get3A_240] {strides = array<i32>} : memref<128x128xf32, #tpu.memory_space<vmem>>, vector<16xf32>,
        %mul3A_242 = arith.mulf %get3A_241, %gather3A_210 : vector<16xf32>
        %swap3A_243 = arith.index_cast %add3A_208 : i32 to index
        %swap3A_244 = arith.constant 64 : index
        %swap3A_245 = tpu.vector_load %arg17[%swap3A_243, %swap3A_244] {strides = array<i32>} : memref<128x128xf32, #tpu.memory_space<vmem>>, vector<16xf32>,
        tpu.vector_store %arg17[%swap3A_243, %swap3A_244], %mul3A_242 {strides = array<i32>} : memref<128x128xf32, #tpu.memory_space<vmem>>, vector<16xf32>,
        %get3A_246 = arith.index_cast %add3A_208 : i32 to index
        %get3A_247 = arith.constant 80 : index
        %get3A_248 = tpu.vector_load %arg17[%get3A_246, %get3A_247] {strides = array<i32>} : memref<128x128xf32, #tpu.memory_space<vmem>>, vector<16xf32>,
        %mul3A_249 = arith.mulf %get3A_248, %gather3A_210 : vector<16xf32>
        %swap3A_250 = arith.index_cast %add3A_208 : i32 to index
        %swap3A_251 = arith.constant 80 : index
        %swap3A_252 = tpu.vector_load %arg17[%swap3A_250, %swap3A_251] {strides = array<i32>} : memref<128x128xf32, #tpu.memory_space<vmem>>, vector<16xf32>,
        tpu.vector_store %arg17[%swap3A_250, %swap3A_251], %mul3A_249 {strides = array<i32>} : memref<128x128xf32, #tpu.memory_space<vmem>>, vector<16xf32>,
        %get3A_253 = arith.index_cast %add3A_208 : i32 to index
        %get3A_254 = arith.constant 96 : index
        %get3A_255 = tpu.vector_load %arg17[%get3A_253, %get3A_254] {strides = array<i32>} : memref<128x128xf32, #tpu.memory_space<vmem>>, vector<16xf32>,
        %mul3A_256 = arith.mulf %get3A_255, %gather3A_210 : vector<16xf32>
        %swap3A_257 = arith.index_cast %add3A_208 : i32 to index
        %swap3A_258 = arith.constant 96 : index
        %swap3A_259 = tpu.vector_load %arg17[%swap3A_257, %swap3A_258] {strides = array<i32>} : memref<128x128xf32, #tpu.memory_space<vmem>>, vector<16xf32>,
        tpu.vector_store %arg17[%swap3A_257, %swap3A_258], %mul3A_256 {strides = array<i32>} : memref<128x128xf32, #tpu.memory_space<vmem>>, vector<16xf32>,
        %get3A_260 = arith.index_cast %add3A_208 : i32 to index
        %get3A_261 = arith.constant 112 : index
        %get3A_262 = tpu.vector_load %arg17[%get3A_260, %get3A_261] {strides = array<i32>} : memref<128x128xf32, #tpu.memory_space<vmem>>, vector<16xf32>,
        %mul3A_263 = arith.mulf %get3A_262, %gather3A_210 : vector<16xf32>
        %swap3A_264 = arith.index_cast %add3A_208 : i32 to index
        %swap3A_265 = arith.constant 112 : index
        %swap3A_266 = tpu.vector_load %arg17[%swap3A_264, %swap3A_265] {strides = array<i32>} : memref<128x128xf32, #tpu.memory_space<vmem>>, vector<16xf32>,
        tpu.vector_store %arg17[%swap3A_264, %swap3A_265], %mul3A_263 {strides = array<i32>} : memref<128x128xf32, #tpu.memory_space<vmem>>, vector<16xf32>,
        %add3A_267 = arith.constant 2 : i32
        %add3A_268 = arith.addi %mul3A_150, %add3A_267 : i32
        %broadcast_in_dim3A_269 = vector.broadcast %add3A_268 : i32 to vector<16xi32>
        %gather3A_270 = tpu.vector_load_idx %arg14[%broadcast_in_dim3A_269] : memref<128xf32, #tpu.memory_space<vmem>>[vector<16xi32>], vector<16xf32>,
        %get3A_271 = arith.index_cast %add3A_268 : i32 to index
        %get3A_272 = arith.constant 0 : index
        %get3A_273 = tpu.vector_load %arg17[%get3A_271, %get3A_272] {strides = array<i32>} : memref<128x128xf32, #tpu.memory_space<vmem>>, vector<16xf32>,
        %mul3A_274 = arith.mulf %get3A_273, %gather3A_270 : vector<16xf32>
        %swap3A_275 = arith.index_cast %add3A_268 : i32 to index
        %swap3A_276 = arith.constant 0 : index
        %swap3A_277 = tpu.vector_load %arg17[%swap3A_275, %swap3A_276] {strides = array<i32>} : memref<128x128xf32, #tpu.memory_space<vmem>>, vector<16xf32>,
        tpu.vector_store %arg17[%swap3A_275, %swap3A_276], %mul3A_274 {strides = array<i32>} : memref<128x128xf32, #tpu.memory_space<vmem>>, vector<16xf32>,
        %get3A_278 = arith.index_cast %add3A_268 : i32 to index
        %get3A_279 = arith.constant 16 : index
        %get3A_280 = tpu.vector_load %arg17[%get3A_278, %get3A_279] {strides = array<i32>} : memref<128x128xf32, #tpu.memory_space<vmem>>, vector<16xf32>,
        %mul3A_281 = arith.mulf %get3A_280, %gather3A_270 : vector<16xf32>
        %swap3A_282 = arith.index_cast %add3A_268 : i32 to index
        %swap3A_283 = arith.constant 16 : index
        %swap3A_284 = tpu.vector_load %arg17[%swap3A_282, %swap3A_283] {strides = array<i32>} : memref<128x128xf32, #tpu.memory_space<vmem>>, vector<16xf32>,
        tpu.vector_store %arg17[%swap3A_282, %swap3A_283], %mul3A_281 {strides = array<i32>} : memref<128x128xf32, #tpu.memory_space<vmem>>, vector<16xf32>,
        %get3A_285 = arith.index_cast %add3A_268 : i32 to index
        %get3A_286 = arith.constant 32 : index
        %get3A_287 = tpu.vector_load %arg17[%get3A_285, %get3A_286] {strides = array<i32>} : memref<128x128xf32, #tpu.memory_space<vmem>>, vector<16xf32>,
        %mul3A_288 = arith.mulf %get3A_287, %gather3A_270 : vector<16xf32>
        %swap3A_289 = arith.index_cast %add3A_268 : i32 to index
        %swap3A_290 = arith.constant 32 : index
        %swap3A_291 = tpu.vector_load %arg17[%swap3A_289, %swap3A_290] {strides = array<i32>} : memref<128x128xf32, #tpu.memory_space<vmem>>, vector<16xf32>,
        tpu.vector_store %arg17[%swap3A_289, %swap3A_290], %mul3A_288 {strides = array<i32>} : memref<128x128xf32, #tpu.memory_space<vmem>>, vector<16xf32>,
        %get3A_292 = arith.index_cast %add3A_268 : i32 to index
        %get3A_293 = arith.constant 48 : index
        %get3A_294 = tpu.vector_load %arg17[%get3A_292, %get3A_293] {strides = array<i32>} : memref<128x128xf32, #tpu.memory_space<vmem>>, vector<16xf32>,
        %mul3A_295 = arith.mulf %get3A_294, %gather3A_270 : vector<16xf32>
        %swap3A_296 = arith.index_cast %add3A_268 : i32 to index
        %swap3A_297 = arith.constant 48 : index
        %swap3A_298 = tpu.vector_load %arg17[%swap3A_296, %swap3A_297] {strides = array<i32>} : memref<128x128xf32, #tpu.memory_space<vmem>>, vector<16xf32>,
        tpu.vector_store %arg17[%swap3A_296, %swap3A_297], %mul3A_295 {strides = array<i32>} : memref<128x128xf32, #tpu.memory_space<vmem>>, vector<16xf32>,
        %get3A_299 = arith.index_cast %add3A_268 : i32 to index
        %get3A_300 = arith.constant 64 : index
        %get3A_301 = tpu.vector_load %arg17[%get3A_299, %get3A_300] {strides = array<i32>} : memref<128x128xf32, #tpu.memory_space<vmem>>, vector<16xf32>,
        %mul3A_302 = arith.mulf %get3A_301, %gather3A_270 : vector<16xf32>
        %swap3A_303 = arith.index_cast %add3A_268 : i32 to index
        %swap3A_304 = arith.constant 64 : index
        %swap3A_305 = tpu.vector_load %arg17[%swap3A_303, %swap3A_304] {strides = array<i32>} : memref<128x128xf32, #tpu.memory_space<vmem>>, vector<16xf32>,
        tpu.vector_store %arg17[%swap3A_303, %swap3A_304], %mul3A_302 {strides = array<i32>} : memref<128x128xf32, #tpu.memory_space<vmem>>, vector<16xf32>,
        %get3A_306 = arith.index_cast %add3A_268 : i32 to index
        %get3A_307 = arith.constant 80 : index
        %get3A_308 = tpu.vector_load %arg17[%get3A_306, %get3A_307] {strides = array<i32>} : memref<128x128xf32, #tpu.memory_space<vmem>>, vector<16xf32>,
        %mul3A_309 = arith.mulf %get3A_308, %gather3A_270 : vector<16xf32>
        %swap3A_310 = arith.index_cast %add3A_268 : i32 to index
        %swap3A_311 = arith.constant 80 : index
        %swap3A_312 = tpu.vector_load %arg17[%swap3A_310, %swap3A_311] {strides = array<i32>} : memref<128x128xf32, #tpu.memory_space<vmem>>, vector<16xf32>,
        tpu.vector_store %arg17[%swap3A_310, %swap3A_311], %mul3A_309 {strides = array<i32>} : memref<128x128xf32, #tpu.memory_space<vmem>>, vector<16xf32>,
        %get3A_313 = arith.index_cast %add3A_268 : i32 to index
        %get3A_314 = arith.constant 96 : index
        %get3A_315 = tpu.vector_load %arg17[%get3A_313, %get3A_314] {strides = array<i32>} : memref<128x128xf32, #tpu.memory_space<vmem>>, vector<16xf32>,
        %mul3A_316 = arith.mulf %get3A_315, %gather3A_270 : vector<16xf32>
        %swap3A_317 = arith.index_cast %add3A_268 : i32 to index
        %swap3A_318 = arith.constant 96 : index
        %swap3A_319 = tpu.vector_load %arg17[%swap3A_317, %swap3A_318] {strides = array<i32>} : memref<128x128xf32, #tpu.memory_space<vmem>>, vector<16xf32>,
        tpu.vector_store %arg17[%swap3A_317, %swap3A_318], %mul3A_316 {strides = array<i32>} : memref<128x128xf32, #tpu.memory_space<vmem>>, vector<16xf32>,
        %get3A_320 = arith.index_cast %add3A_268 : i32 to index
        %get3A_321 = arith.constant 112 : index
        %get3A_322 = tpu.vector_load %arg17[%get3A_320, %get3A_321] {strides = array<i32>} : memref<128x128xf32, #tpu.memory_space<vmem>>, vector<16xf32>,
        %mul3A_323 = arith.mulf %get3A_322, %gather3A_270 : vector<16xf32>
        %swap3A_324 = arith.index_cast %add3A_268 : i32 to index
        %swap3A_325 = arith.constant 112 : index
        %swap3A_326 = tpu.vector_load %arg17[%swap3A_324, %swap3A_325] {strides = array<i32>} : memref<128x128xf32, #tpu.memory_space<vmem>>, vector<16xf32>,
        tpu.vector_store %arg17[%swap3A_324, %swap3A_325], %mul3A_323 {strides = array<i32>} : memref<128x128xf32, #tpu.memory_space<vmem>>, vector<16xf32>,
        %add3A_327 = arith.constant 3 : i32
        %add3A_328 = arith.addi %mul3A_150, %add3A_327 : i32
        %broadcast_in_dim3A_329 = vector.broadcast %add3A_328 : i32 to vector<16xi32>
        %gather3A_330 = tpu.vector_load_idx %arg14[%broadcast_in_dim3A_329] : memref<128xf32, #tpu.memory_space<vmem>>[vector<16xi32>], vector<16xf32>,
        %get3A_331 = arith.index_cast %add3A_328 : i32 to index
        %get3A_332 = arith.constant 0 : index
        %get3A_333 = tpu.vector_load %arg17[%get3A_331, %get3A_332] {strides = array<i32>} : memref<128x128xf32, #tpu.memory_space<vmem>>, vector<16xf32>,
        %mul3A_334 = arith.mulf %get3A_333, %gather3A_330 : vector<16xf32>
        %swap3A_335 = arith.index_cast %add3A_328 : i32 to index
        %swap3A_336 = arith.constant 0 : index
        %swap3A_337 = tpu.vector_load %arg17[%swap3A_335, %swap3A_336] {strides = array<i32>} : memref<128x128xf32, #tpu.memory_space<vmem>>, vector<16xf32>,
        tpu.vector_store %arg17[%swap3A_335, %swap3A_336], %mul3A_334 {strides = array<i32>} : memref<128x128xf32, #tpu.memory_space<vmem>>, vector<16xf32>,
        %get3A_338 = arith.index_cast %add3A_328 : i32 to index
        %get3A_339 = arith.constant 16 : index
        %get3A_340 = tpu.vector_load %arg17[%get3A_338, %get3A_339] {strides = array<i32>} : memref<128x128xf32, #tpu.memory_space<vmem>>, vector<16xf32>,
        %mul3A_341 = arith.mulf %get3A_340, %gather3A_330 : vector<16xf32>
        %swap3A_342 = arith.index_cast %add3A_328 : i32 to index
        %swap3A_343 = arith.constant 16 : index
        %swap3A_344 = tpu.vector_load %arg17[%swap3A_342, %swap3A_343] {strides = array<i32>} : memref<128x128xf32, #tpu.memory_space<vmem>>, vector<16xf32>,
        tpu.vector_store %arg17[%swap3A_342, %swap3A_343], %mul3A_341 {strides = array<i32>} : memref<128x128xf32, #tpu.memory_space<vmem>>, vector<16xf32>,
        %get3A_345 = arith.index_cast %add3A_328 : i32 to index
        %get3A_346 = arith.constant 32 : index
        %get3A_347 = tpu.vector_load %arg17[%get3A_345, %get3A_346] {strides = array<i32>} : memref<128x128xf32, #tpu.memory_space<vmem>>, vector<16xf32>,
        %mul3A_348 = arith.mulf %get3A_347, %gather3A_330 : vector<16xf32>
        %swap3A_349 = arith.index_cast %add3A_328 : i32 to index
        %swap3A_350 = arith.constant 32 : index
        %swap3A_351 = tpu.vector_load %arg17[%swap3A_349, %swap3A_350] {strides = array<i32>} : memref<128x128xf32, #tpu.memory_space<vmem>>, vector<16xf32>,
        tpu.vector_store %arg17[%swap3A_349, %swap3A_350], %mul3A_348 {strides = array<i32>} : memref<128x128xf32, #tpu.memory_space<vmem>>, vector<16xf32>,
        %get3A_352 = arith.index_cast %add3A_328 : i32 to index
        %get3A_353 = arith.constant 48 : index
        %get3A_354 = tpu.vector_load %arg17[%get3A_352, %get3A_353] {strides = array<i32>} : memref<128x128xf32, #tpu.memory_space<vmem>>, vector<16xf32>,
        %mul3A_355 = arith.mulf %get3A_354, %gather3A_330 : vector<16xf32>
        %swap3A_356 = arith.index_cast %add3A_328 : i32 to index
        %swap3A_357 = arith.constant 48 : index
        %swap3A_358 = tpu.vector_load %arg17[%swap3A_356, %swap3A_357] {strides = array<i32>} : memref<128x128xf32, #tpu.memory_space<vmem>>, vector<16xf32>,
        tpu.vector_store %arg17[%swap3A_356, %swap3A_357], %mul3A_355 {strides = array<i32>} : memref<128x128xf32, #tpu.memory_space<vmem>>, vector<16xf32>,
        %get3A_359 = arith.index_cast %add3A_328 : i32 to index
        %get3A_360 = arith.constant 64 : index
        %get3A_361 = tpu.vector_load %arg17[%get3A_359, %get3A_360] {strides = array<i32>} : memref<128x128xf32, #tpu.memory_space<vmem>>, vector<16xf32>,
        %mul3A_362 = arith.mulf %get3A_361, %gather3A_330 : vector<16xf32>
        %swap3A_363 = arith.index_cast %add3A_328 : i32 to index
        %swap3A_364 = arith.constant 64 : index
        %swap3A_365 = tpu.vector_load %arg17[%swap3A_363, %swap3A_364] {strides = array<i32>} : memref<128x128xf32, #tpu.memory_space<vmem>>, vector<16xf32>,
        tpu.vector_store %arg17[%swap3A_363, %swap3A_364], %mul3A_362 {strides = array<i32>} : memref<128x128xf32, #tpu.memory_space<vmem>>, vector<16xf32>,
        %get3A_366 = arith.index_cast %add3A_328 : i32 to index
        %get3A_367 = arith.constant 80 : index
        %get3A_368 = tpu.vector_load %arg17[%get3A_366, %get3A_367] {strides = array<i32>} : memref<128x128xf32, #tpu.memory_space<vmem>>, vector<16xf32>,
        %mul3A_369 = arith.mulf %get3A_368, %gather3A_330 : vector<16xf32>
        %swap3A_370 = arith.index_cast %add3A_328 : i32 to index
        %swap3A_371 = arith.constant 80 : index
        %swap3A_372 = tpu.vector_load %arg17[%swap3A_370, %swap3A_371] {strides = array<i32>} : memref<128x128xf32, #tpu.memory_space<vmem>>, vector<16xf32>,
        tpu.vector_store %arg17[%swap3A_370, %swap3A_371], %mul3A_369 {strides = array<i32>} : memref<128x128xf32, #tpu.memory_space<vmem>>, vector<16xf32>,
        %get3A_373 = arith.index_cast %add3A_328 : i32 to index
        %get3A_374 = arith.constant 96 : index
        %get3A_375 = tpu.vector_load %arg17[%get3A_373, %get3A_374] {strides = array<i32>} : memref<128x128xf32, #tpu.memory_space<vmem>>, vector<16xf32>,
        %mul3A_376 = arith.mulf %get3A_375, %gather3A_330 : vector<16xf32>
        %swap3A_377 = arith.index_cast %add3A_328 : i32 to index
        %swap3A_378 = arith.constant 96 : index
        %swap3A_379 = tpu.vector_load %arg17[%swap3A_377, %swap3A_378] {strides = array<i32>} : memref<128x128xf32, #tpu.memory_space<vmem>>, vector<16xf32>,
        tpu.vector_store %arg17[%swap3A_377, %swap3A_378], %mul3A_376 {strides = array<i32>} : memref<128x128xf32, #tpu.memory_space<vmem>>, vector<16xf32>,
        %get3A_380 = arith.index_cast %add3A_328 : i32 to index
        %get3A_381 = arith.constant 112 : index
        %get3A_382 = tpu.vector_load %arg17[%get3A_380, %get3A_381] {strides = array<i32>} : memref<128x128xf32, #tpu.memory_space<vmem>>, vector<16xf32>,
        %mul3A_383 = arith.mulf %get3A_382, %gather3A_330 : vector<16xf32>
        %swap3A_384 = arith.index_cast %add3A_328 : i32 to index
        %swap3A_385 = arith.constant 112 : index
        %swap3A_386 = tpu.vector_load %arg17[%swap3A_384, %swap3A_385] {strides = array<i32>} : memref<128x128xf32, #tpu.memory_space<vmem>>, vector<16xf32>,
        tpu.vector_store %arg17[%swap3A_384, %swap3A_385], %mul3A_383 {strides = array<i32>} : memref<128x128xf32, #tpu.memory_space<vmem>>, vector<16xf32>,
      }
      %scan3A_60 = arith.constant 32 : i32
      %mul3A_61 = arith.constant 128 : i32
      %mul3A_62 = arith.muli %add3A_45, %mul3A_61 : i32
      %add3A_63 = arith.addi %mul3A_2, %mul3A_62 : i32
      %dma_wait3A_64 = tpu.memref_slice %arg4[%add3A_63] : memref<331776xi32, #tpu.memory_space<hbm>> -> memref<128xi32, #tpu.memory_space<hbm>>
      %dma_wait3A_65 = tpu.memref_slice %arg4[%add3A_63] : memref<331776xi32, #tpu.memory_space<hbm>> -> memref<128xi32, #tpu.memory_space<hbm>>
      tpu.wait_dma2 semaphore(%arg27 : memref<!tpu.dma_semaphore, #tpu.memory_space<semaphore_mem>>) src(%dma_wait3A_65 : memref<128xi32, #tpu.memory_space<hbm>>) dst(%arg11 : memref<128xi32, #tpu.memory_space<vmem>>)
      %dma_start3A_66 = arith.constant 0 : i32
      %dma_start3A_67 = arith.constant 0 : i32
      %dma_start3A_68 = tpu.memref_slice %arg20[%dma_start3A_66, %dma_start3A_67] : memref<10000x128xf32, #tpu.memory_space<vmem_shared>> -> memref<10000x128xf32, #tpu.memory_space<vmem_shared>>
      tpu.enqueue_indirect_dma source(%arg17 : memref<128x128xf32, #tpu.memory_space<vmem>>) target(%dma_start3A_68 : memref<10000x128xf32, #tpu.memory_space<vmem_shared>>) offsets(%arg11 : memref<128xi32, #tpu.memory_space<vmem>>) semaphore(%arg24 : memref<!tpu.dma_semaphore, #tpu.memory_space<semaphore_mem>>) {add = true}
      %ge3A = arith.constant 1 : i32
      %ge3A_69 = arith.cmpi sge, %add3A_45, %ge3A : i32
      %convert_element_type3A_70 = arith.extui %ge3A_69 : i1 to i32
      %cond3A_71 = arith.constant 0 : i32
      %cond3A_72 = arith.cmpi ne, %convert_element_type3A_70, %cond3A_71 : i32
      scf.if %cond3A_72 {
        %dma_wait3A_148 = arith.constant 0 : i32
        %dma_wait3A_149 = arith.constant 0 : i32
        %dma_wait3A_150 = tpu.memref_slice %arg20[%dma_wait3A_148, %dma_wait3A_149] : memref<10000x128xf32, #tpu.memory_space<vmem_shared>> -> memref<10000x128xf32, #tpu.memory_space<vmem_shared>>
        tpu.wait_indirect_dma semaphore(%arg26 : memref<!tpu.dma_semaphore, #tpu.memory_space<semaphore_mem>>) src(%arg19 : memref<128x128xf32, #tpu.memory_space<vmem>>) dst(%dma_wait3A_150 : memref<10000x128xf32, #tpu.memory_space<vmem_shared>>)
      } else {
      }
      %convert_element_type3A_73 = arith.extui %le3A_48 : i1 to i32
      %cond3A_74 = arith.constant 0 : i32
      %cond3A_75 = arith.cmpi ne, %convert_element_type3A_73, %cond3A_74 : i32
      scf.if %cond3A_75 {
        %mul3A_148 = arith.constant 128 : i32
        %mul3A_149 = arith.muli %add3A_47, %mul3A_148 : i32
        %add3A_150 = arith.addi %mul3A_2, %mul3A_149 : i32
        %dma_start3A_151 = tpu.memref_slice %arg4[%add3A_150] : memref<331776xi32, #tpu.memory_space<hbm>> -> memref<128xi32, #tpu.memory_space<hbm>>
        %dma_start3A_152 = tpu.memref_slice %arg4[%add3A_150] : memref<331776xi32, #tpu.memory_space<hbm>> -> memref<128xi32, #tpu.memory_space<hbm>>
        tpu.enqueue_dma source(%dma_start3A_152 : memref<128xi32, #tpu.memory_space<hbm>>) target(%arg13 : memref<128xi32, #tpu.memory_space<vmem>>) target_semaphore(%arg29 : memref<!tpu.dma_semaphore, #tpu.memory_space<semaphore_mem>>)
        %mul3A_153 = arith.constant 128 : i32
        %mul3A_154 = arith.muli %add3A_47, %mul3A_153 : i32
        %add3A_155 = arith.addi %mul3A_2, %mul3A_154 : i32
        %dma_wait3A_156 = tpu.memref_slice %arg3[%add3A_155] : memref<331776xi32, #tpu.memory_space<hbm>> -> memref<128xi32, #tpu.memory_space<hbm>>
        %dma_wait3A_157 = tpu.memref_slice %arg3[%add3A_155] : memref<331776xi32, #tpu.memory_space<hbm>> -> memref<128xi32, #tpu.memory_space<hbm>>
        tpu.wait_dma2 semaphore(%arg30 : memref<!tpu.dma_semaphore, #tpu.memory_space<semaphore_mem>>) src(%dma_wait3A_157 : memref<128xi32, #tpu.memory_space<hbm>>) dst(%arg10 : memref<128xi32, #tpu.memory_space<vmem>>)
        %mul3A_158 = arith.constant 128 : i32
        %mul3A_159 = arith.muli %add3A_47, %mul3A_158 : i32
        %add3A_160 = arith.addi %mul3A_2, %mul3A_159 : i32
        %dma_wait3A_161 = tpu.memref_slice %arg5[%add3A_160] : memref<331776xf32, #tpu.memory_space<hbm>> -> memref<128xf32, #tpu.memory_space<hbm>>
        %dma_wait3A_162 = tpu.memref_slice %arg5[%add3A_160] : memref<331776xf32, #tpu.memory_space<hbm>> -> memref<128xf32, #tpu.memory_space<hbm>>
        tpu.wait_dma2 semaphore(%arg30 : memref<!tpu.dma_semaphore, #tpu.memory_space<semaphore_mem>>) src(%dma_wait3A_162 : memref<128xf32, #tpu.memory_space<hbm>>) dst(%arg16 : memref<128xf32, #tpu.memory_space<vmem>>)
        %dma_start3A_163 = arith.constant 0 : i32
        %dma_start3A_164 = arith.constant 0 : i32
        %dma_start3A_165 = tpu.memref_slice %arg2[%dma_start3A_163, %dma_start3A_164] : memref<10000x128xf32, #tpu.memory_space<hbm>> -> memref<10000x128xf32, #tpu.memory_space<hbm>>
        tpu.enqueue_indirect_dma source(%dma_start3A_165 : memref<10000x128xf32, #tpu.memory_space<hbm>>) target(%arg19 : memref<128x128xf32, #tpu.memory_space<vmem>>) offsets(%arg10 : memref<128xi32, #tpu.memory_space<vmem>>) semaphore(%arg23 : memref<!tpu.dma_semaphore, #tpu.memory_space<semaphore_mem>>)
      } else {
      }
      %mul3A_76 = arith.constant 3 : i32
      %mul3A_77 = arith.muli %scan3A_41, %mul3A_76 : i32
      %add3A_78 = arith.constant 1 : i32
      %add3A_79 = arith.addi %mul3A_77, %add3A_78 : i32
      %add3A_80 = arith.constant 2 : i32
      %add3A_81 = arith.addi %add3A_79, %add3A_80 : i32
      %le3A_82 = arith.constant 80 : i32
      %le3A_83 = arith.cmpi sle, %add3A_81, %le3A_82 : i32
      %convert_element_type3A_84 = arith.extui %le3A_83 : i1 to i32
      %cond3A_85 = arith.constant 0 : i32
      %cond3A_86 = arith.cmpi ne, %convert_element_type3A_84, %cond3A_85 : i32
      scf.if %cond3A_86 {
        %mul3A_148 = arith.constant 128 : i32
        %mul3A_149 = arith.muli %add3A_81, %mul3A_148 : i32
        %add3A_150 = arith.addi %mul3A_2, %mul3A_149 : i32
        %dma_start3A_151 = tpu.memref_slice %arg3[%add3A_150] : memref<331776xi32, #tpu.memory_space<hbm>> -> memref<128xi32, #tpu.memory_space<hbm>>
        %dma_start3A_152 = tpu.memref_slice %arg3[%add3A_150] : memref<331776xi32, #tpu.memory_space<hbm>> -> memref<128xi32, #tpu.memory_space<hbm>>
        tpu.enqueue_dma source(%dma_start3A_152 : memref<128xi32, #tpu.memory_space<hbm>>) target(%arg8 : memref<128xi32, #tpu.memory_space<vmem>>) target_semaphore(%arg30 : memref<!tpu.dma_semaphore, #tpu.memory_space<semaphore_mem>>)
        %mul3A_153 = arith.constant 128 : i32
        %mul3A_154 = arith.muli %add3A_81, %mul3A_153 : i32
        %add3A_155 = arith.addi %mul3A_2, %mul3A_154 : i32
        %dma_start3A_156 = tpu.memref_slice %arg5[%add3A_155] : memref<331776xf32, #tpu.memory_space<hbm>> -> memref<128xf32, #tpu.memory_space<hbm>>
        %dma_start3A_157 = tpu.memref_slice %arg5[%add3A_155] : memref<331776xf32, #tpu.memory_space<hbm>> -> memref<128xf32, #tpu.memory_space<hbm>>
        tpu.enqueue_dma source(%dma_start3A_157 : memref<128xf32, #tpu.memory_space<hbm>>) target(%arg14 : memref<128xf32, #tpu.memory_space<vmem>>) target_semaphore(%arg30 : memref<!tpu.dma_semaphore, #tpu.memory_space<semaphore_mem>>)
      } else {
      }
      %dma_wait3A_87 = arith.constant 0 : i32
      %dma_wait3A_88 = arith.constant 0 : i32
      %dma_wait3A_89 = tpu.memref_slice %arg2[%dma_wait3A_87, %dma_wait3A_88] : memref<10000x128xf32, #tpu.memory_space<hbm>> -> memref<10000x128xf32, #tpu.memory_space<hbm>>
      tpu.wait_indirect_dma semaphore(%arg22 : memref<!tpu.dma_semaphore, #tpu.memory_space<semaphore_mem>>) src(%dma_wait3A_89 : memref<10000x128xf32, #tpu.memory_space<hbm>>) dst(%arg18 : memref<128x128xf32, #tpu.memory_space<vmem>>)
      %scan3A_90 = arith.constant 0 : i32
      %scan3A_91 = arith.constant 0 : i32
      %scan3A_92 = arith.constant 32 : i32
      %scan3A_93 = arith.addi %scan3A_91, %scan3A_92 : i32
      %scan3A_94 = arith.constant 1 : i32
      scf.for %scan3A_148 = %scan3A_91 to %scan3A_93 step %scan3A_94  : i32 {
        %mul3A_149 = arith.constant 4 : i32
        %mul3A_150 = arith.muli %scan3A_148, %mul3A_149 : i32
        %add3A_151 = arith.constant 0 : i32
        %add3A_152 = arith.addi %mul3A_150, %add3A_151 : i32
        %broadcast_in_dim3A = vector.broadcast %add3A_152 : i32 to vector<16xi32>
        %gather3A = tpu.vector_load_idx %arg15[%broadcast_in_dim3A] : memref<128xf32, #tpu.memory_space<vmem>>[vector<16xi32>], vector<16xf32>,
        %get3A = arith.index_cast %add3A_152 : i32 to index
        %get3A_153 = arith.constant 0 : index
        %get3A_154 = tpu.vector_load %arg18[%get3A, %get3A_153] {strides = array<i32>} : memref<128x128xf32, #tpu.memory_space<vmem>>, vector<16xf32>,
        %mul3A_155 = arith.mulf %get3A_154, %gather3A : vector<16xf32>
        %swap3A = arith.index_cast %add3A_152 : i32 to index
        %swap3A_156 = arith.constant 0 : index
        %swap3A_157 = tpu.vector_load %arg18[%swap3A, %swap3A_156] {strides = array<i32>} : memref<128x128xf32, #tpu.memory_space<vmem>>, vector<16xf32>,
        tpu.vector_store %arg18[%swap3A, %swap3A_156], %mul3A_155 {strides = array<i32>} : memref<128x128xf32, #tpu.memory_space<vmem>>, vector<16xf32>,
        %get3A_158 = arith.index_cast %add3A_152 : i32 to index
        %get3A_159 = arith.constant 16 : index
        %get3A_160 = tpu.vector_load %arg18[%get3A_158, %get3A_159] {strides = array<i32>} : memref<128x128xf32, #tpu.memory_space<vmem>>, vector<16xf32>,
        %mul3A_161 = arith.mulf %get3A_160, %gather3A : vector<16xf32>
        %swap3A_162 = arith.index_cast %add3A_152 : i32 to index
        %swap3A_163 = arith.constant 16 : index
        %swap3A_164 = tpu.vector_load %arg18[%swap3A_162, %swap3A_163] {strides = array<i32>} : memref<128x128xf32, #tpu.memory_space<vmem>>, vector<16xf32>,
        tpu.vector_store %arg18[%swap3A_162, %swap3A_163], %mul3A_161 {strides = array<i32>} : memref<128x128xf32, #tpu.memory_space<vmem>>, vector<16xf32>,
        %get3A_165 = arith.index_cast %add3A_152 : i32 to index
        %get3A_166 = arith.constant 32 : index
        %get3A_167 = tpu.vector_load %arg18[%get3A_165, %get3A_166] {strides = array<i32>} : memref<128x128xf32, #tpu.memory_space<vmem>>, vector<16xf32>,
        %mul3A_168 = arith.mulf %get3A_167, %gather3A : vector<16xf32>
        %swap3A_169 = arith.index_cast %add3A_152 : i32 to index
        %swap3A_170 = arith.constant 32 : index
        %swap3A_171 = tpu.vector_load %arg18[%swap3A_169, %swap3A_170] {strides = array<i32>} : memref<128x128xf32, #tpu.memory_space<vmem>>, vector<16xf32>,
        tpu.vector_store %arg18[%swap3A_169, %swap3A_170], %mul3A_168 {strides = array<i32>} : memref<128x128xf32, #tpu.memory_space<vmem>>, vector<16xf32>,
        %get3A_172 = arith.index_cast %add3A_152 : i32 to index
        %get3A_173 = arith.constant 48 : index
        %get3A_174 = tpu.vector_load %arg18[%get3A_172, %get3A_173] {strides = array<i32>} : memref<128x128xf32, #tpu.memory_space<vmem>>, vector<16xf32>,
        %mul3A_175 = arith.mulf %get3A_174, %gather3A : vector<16xf32>
        %swap3A_176 = arith.index_cast %add3A_152 : i32 to index
        %swap3A_177 = arith.constant 48 : index
        %swap3A_178 = tpu.vector_load %arg18[%swap3A_176, %swap3A_177] {strides = array<i32>} : memref<128x128xf32, #tpu.memory_space<vmem>>, vector<16xf32>,
        tpu.vector_store %arg18[%swap3A_176, %swap3A_177], %mul3A_175 {strides = array<i32>} : memref<128x128xf32, #tpu.memory_space<vmem>>, vector<16xf32>,
        %get3A_179 = arith.index_cast %add3A_152 : i32 to index
        %get3A_180 = arith.constant 64 : index
        %get3A_181 = tpu.vector_load %arg18[%get3A_179, %get3A_180] {strides = array<i32>} : memref<128x128xf32, #tpu.memory_space<vmem>>, vector<16xf32>,
        %mul3A_182 = arith.mulf %get3A_181, %gather3A : vector<16xf32>
        %swap3A_183 = arith.index_cast %add3A_152 : i32 to index
        %swap3A_184 = arith.constant 64 : index
        %swap3A_185 = tpu.vector_load %arg18[%swap3A_183, %swap3A_184] {strides = array<i32>} : memref<128x128xf32, #tpu.memory_space<vmem>>, vector<16xf32>,
        tpu.vector_store %arg18[%swap3A_183, %swap3A_184], %mul3A_182 {strides = array<i32>} : memref<128x128xf32, #tpu.memory_space<vmem>>, vector<16xf32>,
        %get3A_186 = arith.index_cast %add3A_152 : i32 to index
        %get3A_187 = arith.constant 80 : index
        %get3A_188 = tpu.vector_load %arg18[%get3A_186, %get3A_187] {strides = array<i32>} : memref<128x128xf32, #tpu.memory_space<vmem>>, vector<16xf32>,
        %mul3A_189 = arith.mulf %get3A_188, %gather3A : vector<16xf32>
        %swap3A_190 = arith.index_cast %add3A_152 : i32 to index
        %swap3A_191 = arith.constant 80 : index
        %swap3A_192 = tpu.vector_load %arg18[%swap3A_190, %swap3A_191] {strides = array<i32>} : memref<128x128xf32, #tpu.memory_space<vmem>>, vector<16xf32>,
        tpu.vector_store %arg18[%swap3A_190, %swap3A_191], %mul3A_189 {strides = array<i32>} : memref<128x128xf32, #tpu.memory_space<vmem>>, vector<16xf32>,
        %get3A_193 = arith.index_cast %add3A_152 : i32 to index
        %get3A_194 = arith.constant 96 : index
        %get3A_195 = tpu.vector_load %arg18[%get3A_193, %get3A_194] {strides = array<i32>} : memref<128x128xf32, #tpu.memory_space<vmem>>, vector<16xf32>,
        %mul3A_196 = arith.mulf %get3A_195, %gather3A : vector<16xf32>
        %swap3A_197 = arith.index_cast %add3A_152 : i32 to index
        %swap3A_198 = arith.constant 96 : index
        %swap3A_199 = tpu.vector_load %arg18[%swap3A_197, %swap3A_198] {strides = array<i32>} : memref<128x128xf32, #tpu.memory_space<vmem>>, vector<16xf32>,
        tpu.vector_store %arg18[%swap3A_197, %swap3A_198], %mul3A_196 {strides = array<i32>} : memref<128x128xf32, #tpu.memory_space<vmem>>, vector<16xf32>,
        %get3A_200 = arith.index_cast %add3A_152 : i32 to index
        %get3A_201 = arith.constant 112 : index
        %get3A_202 = tpu.vector_load %arg18[%get3A_200, %get3A_201] {strides = array<i32>} : memref<128x128xf32, #tpu.memory_space<vmem>>, vector<16xf32>,
        %mul3A_203 = arith.mulf %get3A_202, %gather3A : vector<16xf32>
        %swap3A_204 = arith.index_cast %add3A_152 : i32 to index
        %swap3A_205 = arith.constant 112 : index
        %swap3A_206 = tpu.vector_load %arg18[%swap3A_204, %swap3A_205] {strides = array<i32>} : memref<128x128xf32, #tpu.memory_space<vmem>>, vector<16xf32>,
        tpu.vector_store %arg18[%swap3A_204, %swap3A_205], %mul3A_203 {strides = array<i32>} : memref<128x128xf32, #tpu.memory_space<vmem>>, vector<16xf32>,
        %add3A_207 = arith.constant 1 : i32
        %add3A_208 = arith.addi %mul3A_150, %add3A_207 : i32
        %broadcast_in_dim3A_209 = vector.broadcast %add3A_208 : i32 to vector<16xi32>
        %gather3A_210 = tpu.vector_load_idx %arg15[%broadcast_in_dim3A_209] : memref<128xf32, #tpu.memory_space<vmem>>[vector<16xi32>], vector<16xf32>,
        %get3A_211 = arith.index_cast %add3A_208 : i32 to index
        %get3A_212 = arith.constant 0 : index
        %get3A_213 = tpu.vector_load %arg18[%get3A_211, %get3A_212] {strides = array<i32>} : memref<128x128xf32, #tpu.memory_space<vmem>>, vector<16xf32>,
        %mul3A_214 = arith.mulf %get3A_213, %gather3A_210 : vector<16xf32>
        %swap3A_215 = arith.index_cast %add3A_208 : i32 to index
        %swap3A_216 = arith.constant 0 : index
        %swap3A_217 = tpu.vector_load %arg18[%swap3A_215, %swap3A_216] {strides = array<i32>} : memref<128x128xf32, #tpu.memory_space<vmem>>, vector<16xf32>,
        tpu.vector_store %arg18[%swap3A_215, %swap3A_216], %mul3A_214 {strides = array<i32>} : memref<128x128xf32, #tpu.memory_space<vmem>>, vector<16xf32>,
        %get3A_218 = arith.index_cast %add3A_208 : i32 to index
        %get3A_219 = arith.constant 16 : index
        %get3A_220 = tpu.vector_load %arg18[%get3A_218, %get3A_219] {strides = array<i32>} : memref<128x128xf32, #tpu.memory_space<vmem>>, vector<16xf32>,
        %mul3A_221 = arith.mulf %get3A_220, %gather3A_210 : vector<16xf32>
        %swap3A_222 = arith.index_cast %add3A_208 : i32 to index
        %swap3A_223 = arith.constant 16 : index
        %swap3A_224 = tpu.vector_load %arg18[%swap3A_222, %swap3A_223] {strides = array<i32>} : memref<128x128xf32, #tpu.memory_space<vmem>>, vector<16xf32>,
        tpu.vector_store %arg18[%swap3A_222, %swap3A_223], %mul3A_221 {strides = array<i32>} : memref<128x128xf32, #tpu.memory_space<vmem>>, vector<16xf32>,
        %get3A_225 = arith.index_cast %add3A_208 : i32 to index
        %get3A_226 = arith.constant 32 : index
        %get3A_227 = tpu.vector_load %arg18[%get3A_225, %get3A_226] {strides = array<i32>} : memref<128x128xf32, #tpu.memory_space<vmem>>, vector<16xf32>,
        %mul3A_228 = arith.mulf %get3A_227, %gather3A_210 : vector<16xf32>
        %swap3A_229 = arith.index_cast %add3A_208 : i32 to index
        %swap3A_230 = arith.constant 32 : index
        %swap3A_231 = tpu.vector_load %arg18[%swap3A_229, %swap3A_230] {strides = array<i32>} : memref<128x128xf32, #tpu.memory_space<vmem>>, vector<16xf32>,
        tpu.vector_store %arg18[%swap3A_229, %swap3A_230], %mul3A_228 {strides = array<i32>} : memref<128x128xf32, #tpu.memory_space<vmem>>, vector<16xf32>,
        %get3A_232 = arith.index_cast %add3A_208 : i32 to index
        %get3A_233 = arith.constant 48 : index
        %get3A_234 = tpu.vector_load %arg18[%get3A_232, %get3A_233] {strides = array<i32>} : memref<128x128xf32, #tpu.memory_space<vmem>>, vector<16xf32>,
        %mul3A_235 = arith.mulf %get3A_234, %gather3A_210 : vector<16xf32>
        %swap3A_236 = arith.index_cast %add3A_208 : i32 to index
        %swap3A_237 = arith.constant 48 : index
        %swap3A_238 = tpu.vector_load %arg18[%swap3A_236, %swap3A_237] {strides = array<i32>} : memref<128x128xf32, #tpu.memory_space<vmem>>, vector<16xf32>,
        tpu.vector_store %arg18[%swap3A_236, %swap3A_237], %mul3A_235 {strides = array<i32>} : memref<128x128xf32, #tpu.memory_space<vmem>>, vector<16xf32>,
        %get3A_239 = arith.index_cast %add3A_208 : i32 to index
        %get3A_240 = arith.constant 64 : index
        %get3A_241 = tpu.vector_load %arg18[%get3A_239, %get3A_240] {strides = array<i32>} : memref<128x128xf32, #tpu.memory_space<vmem>>, vector<16xf32>,
        %mul3A_242 = arith.mulf %get3A_241, %gather3A_210 : vector<16xf32>
        %swap3A_243 = arith.index_cast %add3A_208 : i32 to index
        %swap3A_244 = arith.constant 64 : index
        %swap3A_245 = tpu.vector_load %arg18[%swap3A_243, %swap3A_244] {strides = array<i32>} : memref<128x128xf32, #tpu.memory_space<vmem>>, vector<16xf32>,
        tpu.vector_store %arg18[%swap3A_243, %swap3A_244], %mul3A_242 {strides = array<i32>} : memref<128x128xf32, #tpu.memory_space<vmem>>, vector<16xf32>,
        %get3A_246 = arith.index_cast %add3A_208 : i32 to index
        %get3A_247 = arith.constant 80 : index
        %get3A_248 = tpu.vector_load %arg18[%get3A_246, %get3A_247] {strides = array<i32>} : memref<128x128xf32, #tpu.memory_space<vmem>>, vector<16xf32>,
        %mul3A_249 = arith.mulf %get3A_248, %gather3A_210 : vector<16xf32>
        %swap3A_250 = arith.index_cast %add3A_208 : i32 to index
        %swap3A_251 = arith.constant 80 : index
        %swap3A_252 = tpu.vector_load %arg18[%swap3A_250, %swap3A_251] {strides = array<i32>} : memref<128x128xf32, #tpu.memory_space<vmem>>, vector<16xf32>,
        tpu.vector_store %arg18[%swap3A_250, %swap3A_251], %mul3A_249 {strides = array<i32>} : memref<128x128xf32, #tpu.memory_space<vmem>>, vector<16xf32>,
        %get3A_253 = arith.index_cast %add3A_208 : i32 to index
        %get3A_254 = arith.constant 96 : index
        %get3A_255 = tpu.vector_load %arg18[%get3A_253, %get3A_254] {strides = array<i32>} : memref<128x128xf32, #tpu.memory_space<vmem>>, vector<16xf32>,
        %mul3A_256 = arith.mulf %get3A_255, %gather3A_210 : vector<16xf32>
        %swap3A_257 = arith.index_cast %add3A_208 : i32 to index
        %swap3A_258 = arith.constant 96 : index
        %swap3A_259 = tpu.vector_load %arg18[%swap3A_257, %swap3A_258] {strides = array<i32>} : memref<128x128xf32, #tpu.memory_space<vmem>>, vector<16xf32>,
        tpu.vector_store %arg18[%swap3A_257, %swap3A_258], %mul3A_256 {strides = array<i32>} : memref<128x128xf32, #tpu.memory_space<vmem>>, vector<16xf32>,
        %get3A_260 = arith.index_cast %add3A_208 : i32 to index
        %get3A_261 = arith.constant 112 : index
        %get3A_262 = tpu.vector_load %arg18[%get3A_260, %get3A_261] {strides = array<i32>} : memref<128x128xf32, #tpu.memory_space<vmem>>, vector<16xf32>,
        %mul3A_263 = arith.mulf %get3A_262, %gather3A_210 : vector<16xf32>
        %swap3A_264 = arith.index_cast %add3A_208 : i32 to index
        %swap3A_265 = arith.constant 112 : index
        %swap3A_266 = tpu.vector_load %arg18[%swap3A_264, %swap3A_265] {strides = array<i32>} : memref<128x128xf32, #tpu.memory_space<vmem>>, vector<16xf32>,
        tpu.vector_store %arg18[%swap3A_264, %swap3A_265], %mul3A_263 {strides = array<i32>} : memref<128x128xf32, #tpu.memory_space<vmem>>, vector<16xf32>,
        %add3A_267 = arith.constant 2 : i32
        %add3A_268 = arith.addi %mul3A_150, %add3A_267 : i32
        %broadcast_in_dim3A_269 = vector.broadcast %add3A_268 : i32 to vector<16xi32>
        %gather3A_270 = tpu.vector_load_idx %arg15[%broadcast_in_dim3A_269] : memref<128xf32, #tpu.memory_space<vmem>>[vector<16xi32>], vector<16xf32>,
        %get3A_271 = arith.index_cast %add3A_268 : i32 to index
        %get3A_272 = arith.constant 0 : index
        %get3A_273 = tpu.vector_load %arg18[%get3A_271, %get3A_272] {strides = array<i32>} : memref<128x128xf32, #tpu.memory_space<vmem>>, vector<16xf32>,
        %mul3A_274 = arith.mulf %get3A_273, %gather3A_270 : vector<16xf32>
        %swap3A_275 = arith.index_cast %add3A_268 : i32 to index
        %swap3A_276 = arith.constant 0 : index
        %swap3A_277 = tpu.vector_load %arg18[%swap3A_275, %swap3A_276] {strides = array<i32>} : memref<128x128xf32, #tpu.memory_space<vmem>>, vector<16xf32>,
        tpu.vector_store %arg18[%swap3A_275, %swap3A_276], %mul3A_274 {strides = array<i32>} : memref<128x128xf32, #tpu.memory_space<vmem>>, vector<16xf32>,
        %get3A_278 = arith.index_cast %add3A_268 : i32 to index
        %get3A_279 = arith.constant 16 : index
        %get3A_280 = tpu.vector_load %arg18[%get3A_278, %get3A_279] {strides = array<i32>} : memref<128x128xf32, #tpu.memory_space<vmem>>, vector<16xf32>,
        %mul3A_281 = arith.mulf %get3A_280, %gather3A_270 : vector<16xf32>
        %swap3A_282 = arith.index_cast %add3A_268 : i32 to index
        %swap3A_283 = arith.constant 16 : index
        %swap3A_284 = tpu.vector_load %arg18[%swap3A_282, %swap3A_283] {strides = array<i32>} : memref<128x128xf32, #tpu.memory_space<vmem>>, vector<16xf32>,
        tpu.vector_store %arg18[%swap3A_282, %swap3A_283], %mul3A_281 {strides = array<i32>} : memref<128x128xf32, #tpu.memory_space<vmem>>, vector<16xf32>,
        %get3A_285 = arith.index_cast %add3A_268 : i32 to index
        %get3A_286 = arith.constant 32 : index
        %get3A_287 = tpu.vector_load %arg18[%get3A_285, %get3A_286] {strides = array<i32>} : memref<128x128xf32, #tpu.memory_space<vmem>>, vector<16xf32>,
        %mul3A_288 = arith.mulf %get3A_287, %gather3A_270 : vector<16xf32>
        %swap3A_289 = arith.index_cast %add3A_268 : i32 to index
        %swap3A_290 = arith.constant 32 : index
        %swap3A_291 = tpu.vector_load %arg18[%swap3A_289, %swap3A_290] {strides = array<i32>} : memref<128x128xf32, #tpu.memory_space<vmem>>, vector<16xf32>,
        tpu.vector_store %arg18[%swap3A_289, %swap3A_290], %mul3A_288 {strides = array<i32>} : memref<128x128xf32, #tpu.memory_space<vmem>>, vector<16xf32>,
        %get3A_292 = arith.index_cast %add3A_268 : i32 to index
        %get3A_293 = arith.constant 48 : index
        %get3A_294 = tpu.vector_load %arg18[%get3A_292, %get3A_293] {strides = array<i32>} : memref<128x128xf32, #tpu.memory_space<vmem>>, vector<16xf32>,
        %mul3A_295 = arith.mulf %get3A_294, %gather3A_270 : vector<16xf32>
        %swap3A_296 = arith.index_cast %add3A_268 : i32 to index
        %swap3A_297 = arith.constant 48 : index
        %swap3A_298 = tpu.vector_load %arg18[%swap3A_296, %swap3A_297] {strides = array<i32>} : memref<128x128xf32, #tpu.memory_space<vmem>>, vector<16xf32>,
        tpu.vector_store %arg18[%swap3A_296, %swap3A_297], %mul3A_295 {strides = array<i32>} : memref<128x128xf32, #tpu.memory_space<vmem>>, vector<16xf32>,
        %get3A_299 = arith.index_cast %add3A_268 : i32 to index
        %get3A_300 = arith.constant 64 : index
        %get3A_301 = tpu.vector_load %arg18[%get3A_299, %get3A_300] {strides = array<i32>} : memref<128x128xf32, #tpu.memory_space<vmem>>, vector<16xf32>,
        %mul3A_302 = arith.mulf %get3A_301, %gather3A_270 : vector<16xf32>
        %swap3A_303 = arith.index_cast %add3A_268 : i32 to index
        %swap3A_304 = arith.constant 64 : index
        %swap3A_305 = tpu.vector_load %arg18[%swap3A_303, %swap3A_304] {strides = array<i32>} : memref<128x128xf32, #tpu.memory_space<vmem>>, vector<16xf32>,
        tpu.vector_store %arg18[%swap3A_303, %swap3A_304], %mul3A_302 {strides = array<i32>} : memref<128x128xf32, #tpu.memory_space<vmem>>, vector<16xf32>,
        %get3A_306 = arith.index_cast %add3A_268 : i32 to index
        %get3A_307 = arith.constant 80 : index
        %get3A_308 = tpu.vector_load %arg18[%get3A_306, %get3A_307] {strides = array<i32>} : memref<128x128xf32, #tpu.memory_space<vmem>>, vector<16xf32>,
        %mul3A_309 = arith.mulf %get3A_308, %gather3A_270 : vector<16xf32>
        %swap3A_310 = arith.index_cast %add3A_268 : i32 to index
        %swap3A_311 = arith.constant 80 : index
        %swap3A_312 = tpu.vector_load %arg18[%swap3A_310, %swap3A_311] {strides = array<i32>} : memref<128x128xf32, #tpu.memory_space<vmem>>, vector<16xf32>,
        tpu.vector_store %arg18[%swap3A_310, %swap3A_311], %mul3A_309 {strides = array<i32>} : memref<128x128xf32, #tpu.memory_space<vmem>>, vector<16xf32>,
        %get3A_313 = arith.index_cast %add3A_268 : i32 to index
        %get3A_314 = arith.constant 96 : index
        %get3A_315 = tpu.vector_load %arg18[%get3A_313, %get3A_314] {strides = array<i32>} : memref<128x128xf32, #tpu.memory_space<vmem>>, vector<16xf32>,
        %mul3A_316 = arith.mulf %get3A_315, %gather3A_270 : vector<16xf32>
        %swap3A_317 = arith.index_cast %add3A_268 : i32 to index
        %swap3A_318 = arith.constant 96 : index
        %swap3A_319 = tpu.vector_load %arg18[%swap3A_317, %swap3A_318] {strides = array<i32>} : memref<128x128xf32, #tpu.memory_space<vmem>>, vector<16xf32>,
        tpu.vector_store %arg18[%swap3A_317, %swap3A_318], %mul3A_316 {strides = array<i32>} : memref<128x128xf32, #tpu.memory_space<vmem>>, vector<16xf32>,
        %get3A_320 = arith.index_cast %add3A_268 : i32 to index
        %get3A_321 = arith.constant 112 : index
        %get3A_322 = tpu.vector_load %arg18[%get3A_320, %get3A_321] {strides = array<i32>} : memref<128x128xf32, #tpu.memory_space<vmem>>, vector<16xf32>,
        %mul3A_323 = arith.mulf %get3A_322, %gather3A_270 : vector<16xf32>
        %swap3A_324 = arith.index_cast %add3A_268 : i32 to index
        %swap3A_325 = arith.constant 112 : index
        %swap3A_326 = tpu.vector_load %arg18[%swap3A_324, %swap3A_325] {strides = array<i32>} : memref<128x128xf32, #tpu.memory_space<vmem>>, vector<16xf32>,
        tpu.vector_store %arg18[%swap3A_324, %swap3A_325], %mul3A_323 {strides = array<i32>} : memref<128x128xf32, #tpu.memory_space<vmem>>, vector<16xf32>,
        %add3A_327 = arith.constant 3 : i32
        %add3A_328 = arith.addi %mul3A_150, %add3A_327 : i32
        %broadcast_in_dim3A_329 = vector.broadcast %add3A_328 : i32 to vector<16xi32>
        %gather3A_330 = tpu.vector_load_idx %arg15[%broadcast_in_dim3A_329] : memref<128xf32, #tpu.memory_space<vmem>>[vector<16xi32>], vector<16xf32>,
        %get3A_331 = arith.index_cast %add3A_328 : i32 to index
        %get3A_332 = arith.constant 0 : index
        %get3A_333 = tpu.vector_load %arg18[%get3A_331, %get3A_332] {strides = array<i32>} : memref<128x128xf32, #tpu.memory_space<vmem>>, vector<16xf32>,
        %mul3A_334 = arith.mulf %get3A_333, %gather3A_330 : vector<16xf32>
        %swap3A_335 = arith.index_cast %add3A_328 : i32 to index
        %swap3A_336 = arith.constant 0 : index
        %swap3A_337 = tpu.vector_load %arg18[%swap3A_335, %swap3A_336] {strides = array<i32>} : memref<128x128xf32, #tpu.memory_space<vmem>>, vector<16xf32>,
        tpu.vector_store %arg18[%swap3A_335, %swap3A_336], %mul3A_334 {strides = array<i32>} : memref<128x128xf32, #tpu.memory_space<vmem>>, vector<16xf32>,
        %get3A_338 = arith.index_cast %add3A_328 : i32 to index
        %get3A_339 = arith.constant 16 : index
        %get3A_340 = tpu.vector_load %arg18[%get3A_338, %get3A_339] {strides = array<i32>} : memref<128x128xf32, #tpu.memory_space<vmem>>, vector<16xf32>,
        %mul3A_341 = arith.mulf %get3A_340, %gather3A_330 : vector<16xf32>
        %swap3A_342 = arith.index_cast %add3A_328 : i32 to index
        %swap3A_343 = arith.constant 16 : index
        %swap3A_344 = tpu.vector_load %arg18[%swap3A_342, %swap3A_343] {strides = array<i32>} : memref<128x128xf32, #tpu.memory_space<vmem>>, vector<16xf32>,
        tpu.vector_store %arg18[%swap3A_342, %swap3A_343], %mul3A_341 {strides = array<i32>} : memref<128x128xf32, #tpu.memory_space<vmem>>, vector<16xf32>,
        %get3A_345 = arith.index_cast %add3A_328 : i32 to index
        %get3A_346 = arith.constant 32 : index
        %get3A_347 = tpu.vector_load %arg18[%get3A_345, %get3A_346] {strides = array<i32>} : memref<128x128xf32, #tpu.memory_space<vmem>>, vector<16xf32>,
        %mul3A_348 = arith.mulf %get3A_347, %gather3A_330 : vector<16xf32>
        %swap3A_349 = arith.index_cast %add3A_328 : i32 to index
        %swap3A_350 = arith.constant 32 : index
        %swap3A_351 = tpu.vector_load %arg18[%swap3A_349, %swap3A_350] {strides = array<i32>} : memref<128x128xf32, #tpu.memory_space<vmem>>, vector<16xf32>,
        tpu.vector_store %arg18[%swap3A_349, %swap3A_350], %mul3A_348 {strides = array<i32>} : memref<128x128xf32, #tpu.memory_space<vmem>>, vector<16xf32>,
        %get3A_352 = arith.index_cast %add3A_328 : i32 to index
        %get3A_353 = arith.constant 48 : index
        %get3A_354 = tpu.vector_load %arg18[%get3A_352, %get3A_353] {strides = array<i32>} : memref<128x128xf32, #tpu.memory_space<vmem>>, vector<16xf32>,
        %mul3A_355 = arith.mulf %get3A_354, %gather3A_330 : vector<16xf32>
        %swap3A_356 = arith.index_cast %add3A_328 : i32 to index
        %swap3A_357 = arith.constant 48 : index
        %swap3A_358 = tpu.vector_load %arg18[%swap3A_356, %swap3A_357] {strides = array<i32>} : memref<128x128xf32, #tpu.memory_space<vmem>>, vector<16xf32>,
        tpu.vector_store %arg18[%swap3A_356, %swap3A_357], %mul3A_355 {strides = array<i32>} : memref<128x128xf32, #tpu.memory_space<vmem>>, vector<16xf32>,
        %get3A_359 = arith.index_cast %add3A_328 : i32 to index
        %get3A_360 = arith.constant 64 : index
        %get3A_361 = tpu.vector_load %arg18[%get3A_359, %get3A_360] {strides = array<i32>} : memref<128x128xf32, #tpu.memory_space<vmem>>, vector<16xf32>,
        %mul3A_362 = arith.mulf %get3A_361, %gather3A_330 : vector<16xf32>
        %swap3A_363 = arith.index_cast %add3A_328 : i32 to index
        %swap3A_364 = arith.constant 64 : index
        %swap3A_365 = tpu.vector_load %arg18[%swap3A_363, %swap3A_364] {strides = array<i32>} : memref<128x128xf32, #tpu.memory_space<vmem>>, vector<16xf32>,
        tpu.vector_store %arg18[%swap3A_363, %swap3A_364], %mul3A_362 {strides = array<i32>} : memref<128x128xf32, #tpu.memory_space<vmem>>, vector<16xf32>,
        %get3A_366 = arith.index_cast %add3A_328 : i32 to index
        %get3A_367 = arith.constant 80 : index
        %get3A_368 = tpu.vector_load %arg18[%get3A_366, %get3A_367] {strides = array<i32>} : memref<128x128xf32, #tpu.memory_space<vmem>>, vector<16xf32>,
        %mul3A_369 = arith.mulf %get3A_368, %gather3A_330 : vector<16xf32>
        %swap3A_370 = arith.index_cast %add3A_328 : i32 to index
        %swap3A_371 = arith.constant 80 : index
        %swap3A_372 = tpu.vector_load %arg18[%swap3A_370, %swap3A_371] {strides = array<i32>} : memref<128x128xf32, #tpu.memory_space<vmem>>, vector<16xf32>,
        tpu.vector_store %arg18[%swap3A_370, %swap3A_371], %mul3A_369 {strides = array<i32>} : memref<128x128xf32, #tpu.memory_space<vmem>>, vector<16xf32>,
        %get3A_373 = arith.index_cast %add3A_328 : i32 to index
        %get3A_374 = arith.constant 96 : index
        %get3A_375 = tpu.vector_load %arg18[%get3A_373, %get3A_374] {strides = array<i32>} : memref<128x128xf32, #tpu.memory_space<vmem>>, vector<16xf32>,
        %mul3A_376 = arith.mulf %get3A_375, %gather3A_330 : vector<16xf32>
        %swap3A_377 = arith.index_cast %add3A_328 : i32 to index
        %swap3A_378 = arith.constant 96 : index
        %swap3A_379 = tpu.vector_load %arg18[%swap3A_377, %swap3A_378] {strides = array<i32>} : memref<128x128xf32, #tpu.memory_space<vmem>>, vector<16xf32>,
        tpu.vector_store %arg18[%swap3A_377, %swap3A_378], %mul3A_376 {strides = array<i32>} : memref<128x128xf32, #tpu.memory_space<vmem>>, vector<16xf32>,
        %get3A_380 = arith.index_cast %add3A_328 : i32 to index
        %get3A_381 = arith.constant 112 : index
        %get3A_382 = tpu.vector_load %arg18[%get3A_380, %get3A_381] {strides = array<i32>} : memref<128x128xf32, #tpu.memory_space<vmem>>, vector<16xf32>,
        %mul3A_383 = arith.mulf %get3A_382, %gather3A_330 : vector<16xf32>
        %swap3A_384 = arith.index_cast %add3A_328 : i32 to index
        %swap3A_385 = arith.constant 112 : index
        %swap3A_386 = tpu.vector_load %arg18[%swap3A_384, %swap3A_385] {strides = array<i32>} : memref<128x128xf32, #tpu.memory_space<vmem>>, vector<16xf32>,
        tpu.vector_store %arg18[%swap3A_384, %swap3A_385], %mul3A_383 {strides = array<i32>} : memref<128x128xf32, #tpu.memory_space<vmem>>, vector<16xf32>,
      }
      %scan3A_95 = arith.constant 32 : i32
      %mul3A_96 = arith.constant 128 : i32
      %mul3A_97 = arith.muli %add3A_79, %mul3A_96 : i32
      %add3A_98 = arith.addi %mul3A_2, %mul3A_97 : i32
      %dma_wait3A_99 = tpu.memref_slice %arg4[%add3A_98] : memref<331776xi32, #tpu.memory_space<hbm>> -> memref<128xi32, #tpu.memory_space<hbm>>
      %dma_wait3A_100 = tpu.memref_slice %arg4[%add3A_98] : memref<331776xi32, #tpu.memory_space<hbm>> -> memref<128xi32, #tpu.memory_space<hbm>>
      tpu.wait_dma2 semaphore(%arg28 : memref<!tpu.dma_semaphore, #tpu.memory_space<semaphore_mem>>) src(%dma_wait3A_100 : memref<128xi32, #tpu.memory_space<hbm>>) dst(%arg12 : memref<128xi32, #tpu.memory_space<vmem>>)
      %dma_start3A_101 = arith.constant 0 : i32
      %dma_start3A_102 = arith.constant 0 : i32
      %dma_start3A_103 = tpu.memref_slice %arg20[%dma_start3A_101, %dma_start3A_102] : memref<10000x128xf32, #tpu.memory_space<vmem_shared>> -> memref<10000x128xf32, #tpu.memory_space<vmem_shared>>
      tpu.enqueue_indirect_dma source(%arg18 : memref<128x128xf32, #tpu.memory_space<vmem>>) target(%dma_start3A_103 : memref<10000x128xf32, #tpu.memory_space<vmem_shared>>) offsets(%arg12 : memref<128xi32, #tpu.memory_space<vmem>>) semaphore(%arg25 : memref<!tpu.dma_semaphore, #tpu.memory_space<semaphore_mem>>) {add = true}
      %ge3A_104 = arith.constant 1 : i32
      %ge3A_105 = arith.cmpi sge, %add3A_79, %ge3A_104 : i32
      %convert_element_type3A_106 = arith.extui %ge3A_105 : i1 to i32
      %cond3A_107 = arith.constant 0 : i32
      %cond3A_108 = arith.cmpi ne, %convert_element_type3A_106, %cond3A_107 : i32
      scf.if %cond3A_108 {
        %dma_wait3A_148 = arith.constant 0 : i32
        %dma_wait3A_149 = arith.constant 0 : i32
        %dma_wait3A_150 = tpu.memref_slice %arg20[%dma_wait3A_148, %dma_wait3A_149] : memref<10000x128xf32, #tpu.memory_space<vmem_shared>> -> memref<10000x128xf32, #tpu.memory_space<vmem_shared>>
        tpu.wait_indirect_dma semaphore(%arg24 : memref<!tpu.dma_semaphore, #tpu.memory_space<semaphore_mem>>) src(%arg17 : memref<128x128xf32, #tpu.memory_space<vmem>>) dst(%dma_wait3A_150 : memref<10000x128xf32, #tpu.memory_space<vmem_shared>>)
      } else {
      }
      %convert_element_type3A_109 = arith.extui %le3A_83 : i1 to i32
      %cond3A_110 = arith.constant 0 : i32
      %cond3A_111 = arith.cmpi ne, %convert_element_type3A_109, %cond3A_110 : i32
      scf.if %cond3A_111 {
        %mul3A_148 = arith.constant 128 : i32
        %mul3A_149 = arith.muli %add3A_81, %mul3A_148 : i32
        %add3A_150 = arith.addi %mul3A_2, %mul3A_149 : i32
        %dma_start3A_151 = tpu.memref_slice %arg4[%add3A_150] : memref<331776xi32, #tpu.memory_space<hbm>> -> memref<128xi32, #tpu.memory_space<hbm>>
        %dma_start3A_152 = tpu.memref_slice %arg4[%add3A_150] : memref<331776xi32, #tpu.memory_space<hbm>> -> memref<128xi32, #tpu.memory_space<hbm>>
        tpu.enqueue_dma source(%dma_start3A_152 : memref<128xi32, #tpu.memory_space<hbm>>) target(%arg11 : memref<128xi32, #tpu.memory_space<vmem>>) target_semaphore(%arg27 : memref<!tpu.dma_semaphore, #tpu.memory_space<semaphore_mem>>)
        %mul3A_153 = arith.constant 128 : i32
        %mul3A_154 = arith.muli %add3A_81, %mul3A_153 : i32
        %add3A_155 = arith.addi %mul3A_2, %mul3A_154 : i32
        %dma_wait3A_156 = tpu.memref_slice %arg3[%add3A_155] : memref<331776xi32, #tpu.memory_space<hbm>> -> memref<128xi32, #tpu.memory_space<hbm>>
        %dma_wait3A_157 = tpu.memref_slice %arg3[%add3A_155] : memref<331776xi32, #tpu.memory_space<hbm>> -> memref<128xi32, #tpu.memory_space<hbm>>
        tpu.wait_dma2 semaphore(%arg30 : memref<!tpu.dma_semaphore, #tpu.memory_space<semaphore_mem>>) src(%dma_wait3A_157 : memref<128xi32, #tpu.memory_space<hbm>>) dst(%arg8 : memref<128xi32, #tpu.memory_space<vmem>>)
        %mul3A_158 = arith.constant 128 : i32
        %mul3A_159 = arith.muli %add3A_81, %mul3A_158 : i32
        %add3A_160 = arith.addi %mul3A_2, %mul3A_159 : i32
        %dma_wait3A_161 = tpu.memref_slice %arg5[%add3A_160] : memref<331776xf32, #tpu.memory_space<hbm>> -> memref<128xf32, #tpu.memory_space<hbm>>
        %dma_wait3A_162 = tpu.memref_slice %arg5[%add3A_160] : memref<331776xf32, #tpu.memory_space<hbm>> -> memref<128xf32, #tpu.memory_space<hbm>>
        tpu.wait_dma2 semaphore(%arg30 : memref<!tpu.dma_semaphore, #tpu.memory_space<semaphore_mem>>) src(%dma_wait3A_162 : memref<128xf32, #tpu.memory_space<hbm>>) dst(%arg14 : memref<128xf32, #tpu.memory_space<vmem>>)
        %dma_start3A_163 = arith.constant 0 : i32
        %dma_start3A_164 = arith.constant 0 : i32
        %dma_start3A_165 = tpu.memref_slice %arg2[%dma_start3A_163, %dma_start3A_164] : memref<10000x128xf32, #tpu.memory_space<hbm>> -> memref<10000x128xf32, #tpu.memory_space<hbm>>
        tpu.enqueue_indirect_dma source(%dma_start3A_165 : memref<10000x128xf32, #tpu.memory_space<hbm>>) target(%arg17 : memref<128x128xf32, #tpu.memory_space<vmem>>) offsets(%arg8 : memref<128xi32, #tpu.memory_space<vmem>>) semaphore(%arg21 : memref<!tpu.dma_semaphore, #tpu.memory_space<semaphore_mem>>)
      } else {
      }
      %mul3A_112 = arith.constant 3 : i32
      %mul3A_113 = arith.muli %scan3A_41, %mul3A_112 : i32
      %add3A_114 = arith.constant 2 : i32
      %add3A_115 = arith.addi %mul3A_113, %add3A_114 : i32
      %add3A_116 = arith.constant 2 : i32
      %add3A_117 = arith.addi %add3A_115, %add3A_116 : i32
      %le3A_118 = arith.constant 80 : i32
      %le3A_119 = arith.cmpi sle, %add3A_117, %le3A_118 : i32
      %convert_element_type3A_120 = arith.extui %le3A_119 : i1 to i32
      %cond3A_121 = arith.constant 0 : i32
      %cond3A_122 = arith.cmpi ne, %convert_element_type3A_120, %cond3A_121 : i32
      scf.if %cond3A_122 {
        %mul3A_148 = arith.constant 128 : i32
        %mul3A_149 = arith.muli %add3A_117, %mul3A_148 : i32
        %add3A_150 = arith.addi %mul3A_2, %mul3A_149 : i32
        %dma_start3A_151 = tpu.memref_slice %arg3[%add3A_150] : memref<331776xi32, #tpu.memory_space<hbm>> -> memref<128xi32, #tpu.memory_space<hbm>>
        %dma_start3A_152 = tpu.memref_slice %arg3[%add3A_150] : memref<331776xi32, #tpu.memory_space<hbm>> -> memref<128xi32, #tpu.memory_space<hbm>>
        tpu.enqueue_dma source(%dma_start3A_152 : memref<128xi32, #tpu.memory_space<hbm>>) target(%arg9 : memref<128xi32, #tpu.memory_space<vmem>>) target_semaphore(%arg30 : memref<!tpu.dma_semaphore, #tpu.memory_space<semaphore_mem>>)
        %mul3A_153 = arith.constant 128 : i32
        %mul3A_154 = arith.muli %add3A_117, %mul3A_153 : i32
        %add3A_155 = arith.addi %mul3A_2, %mul3A_154 : i32
        %dma_start3A_156 = tpu.memref_slice %arg5[%add3A_155] : memref<331776xf32, #tpu.memory_space<hbm>> -> memref<128xf32, #tpu.memory_space<hbm>>
        %dma_start3A_157 = tpu.memref_slice %arg5[%add3A_155] : memref<331776xf32, #tpu.memory_space<hbm>> -> memref<128xf32, #tpu.memory_space<hbm>>
        tpu.enqueue_dma source(%dma_start3A_157 : memref<128xf32, #tpu.memory_space<hbm>>) target(%arg15 : memref<128xf32, #tpu.memory_space<vmem>>) target_semaphore(%arg30 : memref<!tpu.dma_semaphore, #tpu.memory_space<semaphore_mem>>)
      } else {
      }
      %dma_wait3A_123 = arith.constant 0 : i32
      %dma_wait3A_124 = arith.constant 0 : i32
      %dma_wait3A_125 = tpu.memref_slice %arg2[%dma_wait3A_123, %dma_wait3A_124] : memref<10000x128xf32, #tpu.memory_space<hbm>> -> memref<10000x128xf32, #tpu.memory_space<hbm>>
      tpu.wait_indirect_dma semaphore(%arg23 : memref<!tpu.dma_semaphore, #tpu.memory_space<semaphore_mem>>) src(%dma_wait3A_125 : memref<10000x128xf32, #tpu.memory_space<hbm>>) dst(%arg19 : memref<128x128xf32, #tpu.memory_space<vmem>>)
      %scan3A_126 = arith.constant 0 : i32
      %scan3A_127 = arith.constant 0 : i32
      %scan3A_128 = arith.constant 32 : i32
      %scan3A_129 = arith.addi %scan3A_127, %scan3A_128 : i32
      %scan3A_130 = arith.constant 1 : i32
      scf.for %scan3A_148 = %scan3A_127 to %scan3A_129 step %scan3A_130  : i32 {
        %mul3A_149 = arith.constant 4 : i32
        %mul3A_150 = arith.muli %scan3A_148, %mul3A_149 : i32
        %add3A_151 = arith.constant 0 : i32
        %add3A_152 = arith.addi %mul3A_150, %add3A_151 : i32
        %broadcast_in_dim3A = vector.broadcast %add3A_152 : i32 to vector<16xi32>
        %gather3A = tpu.vector_load_idx %arg16[%broadcast_in_dim3A] : memref<128xf32, #tpu.memory_space<vmem>>[vector<16xi32>], vector<16xf32>,
        %get3A = arith.index_cast %add3A_152 : i32 to index
        %get3A_153 = arith.constant 0 : index
        %get3A_154 = tpu.vector_load %arg19[%get3A, %get3A_153] {strides = array<i32>} : memref<128x128xf32, #tpu.memory_space<vmem>>, vector<16xf32>,
        %mul3A_155 = arith.mulf %get3A_154, %gather3A : vector<16xf32>
        %swap3A = arith.index_cast %add3A_152 : i32 to index
        %swap3A_156 = arith.constant 0 : index
        %swap3A_157 = tpu.vector_load %arg19[%swap3A, %swap3A_156] {strides = array<i32>} : memref<128x128xf32, #tpu.memory_space<vmem>>, vector<16xf32>,
        tpu.vector_store %arg19[%swap3A, %swap3A_156], %mul3A_155 {strides = array<i32>} : memref<128x128xf32, #tpu.memory_space<vmem>>, vector<16xf32>,
        %get3A_158 = arith.index_cast %add3A_152 : i32 to index
        %get3A_159 = arith.constant 16 : index
        %get3A_160 = tpu.vector_load %arg19[%get3A_158, %get3A_159] {strides = array<i32>} : memref<128x128xf32, #tpu.memory_space<vmem>>, vector<16xf32>,
        %mul3A_161 = arith.mulf %get3A_160, %gather3A : vector<16xf32>
        %swap3A_162 = arith.index_cast %add3A_152 : i32 to index
        %swap3A_163 = arith.constant 16 : index
        %swap3A_164 = tpu.vector_load %arg19[%swap3A_162, %swap3A_163] {strides = array<i32>} : memref<128x128xf32, #tpu.memory_space<vmem>>, vector<16xf32>,
        tpu.vector_store %arg19[%swap3A_162, %swap3A_163], %mul3A_161 {strides = array<i32>} : memref<128x128xf32, #tpu.memory_space<vmem>>, vector<16xf32>,
        %get3A_165 = arith.index_cast %add3A_152 : i32 to index
        %get3A_166 = arith.constant 32 : index
        %get3A_167 = tpu.vector_load %arg19[%get3A_165, %get3A_166] {strides = array<i32>} : memref<128x128xf32, #tpu.memory_space<vmem>>, vector<16xf32>,
        %mul3A_168 = arith.mulf %get3A_167, %gather3A : vector<16xf32>
        %swap3A_169 = arith.index_cast %add3A_152 : i32 to index
        %swap3A_170 = arith.constant 32 : index
        %swap3A_171 = tpu.vector_load %arg19[%swap3A_169, %swap3A_170] {strides = array<i32>} : memref<128x128xf32, #tpu.memory_space<vmem>>, vector<16xf32>,
        tpu.vector_store %arg19[%swap3A_169, %swap3A_170], %mul3A_168 {strides = array<i32>} : memref<128x128xf32, #tpu.memory_space<vmem>>, vector<16xf32>,
        %get3A_172 = arith.index_cast %add3A_152 : i32 to index
        %get3A_173 = arith.constant 48 : index
        %get3A_174 = tpu.vector_load %arg19[%get3A_172, %get3A_173] {strides = array<i32>} : memref<128x128xf32, #tpu.memory_space<vmem>>, vector<16xf32>,
        %mul3A_175 = arith.mulf %get3A_174, %gather3A : vector<16xf32>
        %swap3A_176 = arith.index_cast %add3A_152 : i32 to index
        %swap3A_177 = arith.constant 48 : index
        %swap3A_178 = tpu.vector_load %arg19[%swap3A_176, %swap3A_177] {strides = array<i32>} : memref<128x128xf32, #tpu.memory_space<vmem>>, vector<16xf32>,
        tpu.vector_store %arg19[%swap3A_176, %swap3A_177], %mul3A_175 {strides = array<i32>} : memref<128x128xf32, #tpu.memory_space<vmem>>, vector<16xf32>,
        %get3A_179 = arith.index_cast %add3A_152 : i32 to index
        %get3A_180 = arith.constant 64 : index
        %get3A_181 = tpu.vector_load %arg19[%get3A_179, %get3A_180] {strides = array<i32>} : memref<128x128xf32, #tpu.memory_space<vmem>>, vector<16xf32>,
        %mul3A_182 = arith.mulf %get3A_181, %gather3A : vector<16xf32>
        %swap3A_183 = arith.index_cast %add3A_152 : i32 to index
        %swap3A_184 = arith.constant 64 : index
        %swap3A_185 = tpu.vector_load %arg19[%swap3A_183, %swap3A_184] {strides = array<i32>} : memref<128x128xf32, #tpu.memory_space<vmem>>, vector<16xf32>,
        tpu.vector_store %arg19[%swap3A_183, %swap3A_184], %mul3A_182 {strides = array<i32>} : memref<128x128xf32, #tpu.memory_space<vmem>>, vector<16xf32>,
        %get3A_186 = arith.index_cast %add3A_152 : i32 to index
        %get3A_187 = arith.constant 80 : index
        %get3A_188 = tpu.vector_load %arg19[%get3A_186, %get3A_187] {strides = array<i32>} : memref<128x128xf32, #tpu.memory_space<vmem>>, vector<16xf32>,
        %mul3A_189 = arith.mulf %get3A_188, %gather3A : vector<16xf32>
        %swap3A_190 = arith.index_cast %add3A_152 : i32 to index
        %swap3A_191 = arith.constant 80 : index
        %swap3A_192 = tpu.vector_load %arg19[%swap3A_190, %swap3A_191] {strides = array<i32>} : memref<128x128xf32, #tpu.memory_space<vmem>>, vector<16xf32>,
        tpu.vector_store %arg19[%swap3A_190, %swap3A_191], %mul3A_189 {strides = array<i32>} : memref<128x128xf32, #tpu.memory_space<vmem>>, vector<16xf32>,
        %get3A_193 = arith.index_cast %add3A_152 : i32 to index
        %get3A_194 = arith.constant 96 : index
        %get3A_195 = tpu.vector_load %arg19[%get3A_193, %get3A_194] {strides = array<i32>} : memref<128x128xf32, #tpu.memory_space<vmem>>, vector<16xf32>,
        %mul3A_196 = arith.mulf %get3A_195, %gather3A : vector<16xf32>
        %swap3A_197 = arith.index_cast %add3A_152 : i32 to index
        %swap3A_198 = arith.constant 96 : index
        %swap3A_199 = tpu.vector_load %arg19[%swap3A_197, %swap3A_198] {strides = array<i32>} : memref<128x128xf32, #tpu.memory_space<vmem>>, vector<16xf32>,
        tpu.vector_store %arg19[%swap3A_197, %swap3A_198], %mul3A_196 {strides = array<i32>} : memref<128x128xf32, #tpu.memory_space<vmem>>, vector<16xf32>,
        %get3A_200 = arith.index_cast %add3A_152 : i32 to index
        %get3A_201 = arith.constant 112 : index
        %get3A_202 = tpu.vector_load %arg19[%get3A_200, %get3A_201] {strides = array<i32>} : memref<128x128xf32, #tpu.memory_space<vmem>>, vector<16xf32>,
        %mul3A_203 = arith.mulf %get3A_202, %gather3A : vector<16xf32>
        %swap3A_204 = arith.index_cast %add3A_152 : i32 to index
        %swap3A_205 = arith.constant 112 : index
        %swap3A_206 = tpu.vector_load %arg19[%swap3A_204, %swap3A_205] {strides = array<i32>} : memref<128x128xf32, #tpu.memory_space<vmem>>, vector<16xf32>,
        tpu.vector_store %arg19[%swap3A_204, %swap3A_205], %mul3A_203 {strides = array<i32>} : memref<128x128xf32, #tpu.memory_space<vmem>>, vector<16xf32>,
        %add3A_207 = arith.constant 1 : i32
        %add3A_208 = arith.addi %mul3A_150, %add3A_207 : i32
        %broadcast_in_dim3A_209 = vector.broadcast %add3A_208 : i32 to vector<16xi32>
        %gather3A_210 = tpu.vector_load_idx %arg16[%broadcast_in_dim3A_209] : memref<128xf32, #tpu.memory_space<vmem>>[vector<16xi32>], vector<16xf32>,
        %get3A_211 = arith.index_cast %add3A_208 : i32 to index
        %get3A_212 = arith.constant 0 : index
        %get3A_213 = tpu.vector_load %arg19[%get3A_211, %get3A_212] {strides = array<i32>} : memref<128x128xf32, #tpu.memory_space<vmem>>, vector<16xf32>,
        %mul3A_214 = arith.mulf %get3A_213, %gather3A_210 : vector<16xf32>
        %swap3A_215 = arith.index_cast %add3A_208 : i32 to index
        %swap3A_216 = arith.constant 0 : index
        %swap3A_217 = tpu.vector_load %arg19[%swap3A_215, %swap3A_216] {strides = array<i32>} : memref<128x128xf32, #tpu.memory_space<vmem>>, vector<16xf32>,
        tpu.vector_store %arg19[%swap3A_215, %swap3A_216], %mul3A_214 {strides = array<i32>} : memref<128x128xf32, #tpu.memory_space<vmem>>, vector<16xf32>,
        %get3A_218 = arith.index_cast %add3A_208 : i32 to index
        %get3A_219 = arith.constant 16 : index
        %get3A_220 = tpu.vector_load %arg19[%get3A_218, %get3A_219] {strides = array<i32>} : memref<128x128xf32, #tpu.memory_space<vmem>>, vector<16xf32>,
        %mul3A_221 = arith.mulf %get3A_220, %gather3A_210 : vector<16xf32>
        %swap3A_222 = arith.index_cast %add3A_208 : i32 to index
        %swap3A_223 = arith.constant 16 : index
        %swap3A_224 = tpu.vector_load %arg19[%swap3A_222, %swap3A_223] {strides = array<i32>} : memref<128x128xf32, #tpu.memory_space<vmem>>, vector<16xf32>,
        tpu.vector_store %arg19[%swap3A_222, %swap3A_223], %mul3A_221 {strides = array<i32>} : memref<128x128xf32, #tpu.memory_space<vmem>>, vector<16xf32>,
        %get3A_225 = arith.index_cast %add3A_208 : i32 to index
        %get3A_226 = arith.constant 32 : index
        %get3A_227 = tpu.vector_load %arg19[%get3A_225, %get3A_226] {strides = array<i32>} : memref<128x128xf32, #tpu.memory_space<vmem>>, vector<16xf32>,
        %mul3A_228 = arith.mulf %get3A_227, %gather3A_210 : vector<16xf32>
        %swap3A_229 = arith.index_cast %add3A_208 : i32 to index
        %swap3A_230 = arith.constant 32 : index
        %swap3A_231 = tpu.vector_load %arg19[%swap3A_229, %swap3A_230] {strides = array<i32>} : memref<128x128xf32, #tpu.memory_space<vmem>>, vector<16xf32>,
        tpu.vector_store %arg19[%swap3A_229, %swap3A_230], %mul3A_228 {strides = array<i32>} : memref<128x128xf32, #tpu.memory_space<vmem>>, vector<16xf32>,
        %get3A_232 = arith.index_cast %add3A_208 : i32 to index
        %get3A_233 = arith.constant 48 : index
        %get3A_234 = tpu.vector_load %arg19[%get3A_232, %get3A_233] {strides = array<i32>} : memref<128x128xf32, #tpu.memory_space<vmem>>, vector<16xf32>,
        %mul3A_235 = arith.mulf %get3A_234, %gather3A_210 : vector<16xf32>
        %swap3A_236 = arith.index_cast %add3A_208 : i32 to index
        %swap3A_237 = arith.constant 48 : index
        %swap3A_238 = tpu.vector_load %arg19[%swap3A_236, %swap3A_237] {strides = array<i32>} : memref<128x128xf32, #tpu.memory_space<vmem>>, vector<16xf32>,
        tpu.vector_store %arg19[%swap3A_236, %swap3A_237], %mul3A_235 {strides = array<i32>} : memref<128x128xf32, #tpu.memory_space<vmem>>, vector<16xf32>,
        %get3A_239 = arith.index_cast %add3A_208 : i32 to index
        %get3A_240 = arith.constant 64 : index
        %get3A_241 = tpu.vector_load %arg19[%get3A_239, %get3A_240] {strides = array<i32>} : memref<128x128xf32, #tpu.memory_space<vmem>>, vector<16xf32>,
        %mul3A_242 = arith.mulf %get3A_241, %gather3A_210 : vector<16xf32>
        %swap3A_243 = arith.index_cast %add3A_208 : i32 to index
        %swap3A_244 = arith.constant 64 : index
        %swap3A_245 = tpu.vector_load %arg19[%swap3A_243, %swap3A_244] {strides = array<i32>} : memref<128x128xf32, #tpu.memory_space<vmem>>, vector<16xf32>,
        tpu.vector_store %arg19[%swap3A_243, %swap3A_244], %mul3A_242 {strides = array<i32>} : memref<128x128xf32, #tpu.memory_space<vmem>>, vector<16xf32>,
        %get3A_246 = arith.index_cast %add3A_208 : i32 to index
        %get3A_247 = arith.constant 80 : index
        %get3A_248 = tpu.vector_load %arg19[%get3A_246, %get3A_247] {strides = array<i32>} : memref<128x128xf32, #tpu.memory_space<vmem>>, vector<16xf32>,
        %mul3A_249 = arith.mulf %get3A_248, %gather3A_210 : vector<16xf32>
        %swap3A_250 = arith.index_cast %add3A_208 : i32 to index
        %swap3A_251 = arith.constant 80 : index
        %swap3A_252 = tpu.vector_load %arg19[%swap3A_250, %swap3A_251] {strides = array<i32>} : memref<128x128xf32, #tpu.memory_space<vmem>>, vector<16xf32>,
        tpu.vector_store %arg19[%swap3A_250, %swap3A_251], %mul3A_249 {strides = array<i32>} : memref<128x128xf32, #tpu.memory_space<vmem>>, vector<16xf32>,
        %get3A_253 = arith.index_cast %add3A_208 : i32 to index
        %get3A_254 = arith.constant 96 : index
        %get3A_255 = tpu.vector_load %arg19[%get3A_253, %get3A_254] {strides = array<i32>} : memref<128x128xf32, #tpu.memory_space<vmem>>, vector<16xf32>,
        %mul3A_256 = arith.mulf %get3A_255, %gather3A_210 : vector<16xf32>
        %swap3A_257 = arith.index_cast %add3A_208 : i32 to index
        %swap3A_258 = arith.constant 96 : index
        %swap3A_259 = tpu.vector_load %arg19[%swap3A_257, %swap3A_258] {strides = array<i32>} : memref<128x128xf32, #tpu.memory_space<vmem>>, vector<16xf32>,
        tpu.vector_store %arg19[%swap3A_257, %swap3A_258], %mul3A_256 {strides = array<i32>} : memref<128x128xf32, #tpu.memory_space<vmem>>, vector<16xf32>,
        %get3A_260 = arith.index_cast %add3A_208 : i32 to index
        %get3A_261 = arith.constant 112 : index
        %get3A_262 = tpu.vector_load %arg19[%get3A_260, %get3A_261] {strides = array<i32>} : memref<128x128xf32, #tpu.memory_space<vmem>>, vector<16xf32>,
        %mul3A_263 = arith.mulf %get3A_262, %gather3A_210 : vector<16xf32>
        %swap3A_264 = arith.index_cast %add3A_208 : i32 to index
        %swap3A_265 = arith.constant 112 : index
        %swap3A_266 = tpu.vector_load %arg19[%swap3A_264, %swap3A_265] {strides = array<i32>} : memref<128x128xf32, #tpu.memory_space<vmem>>, vector<16xf32>,
        tpu.vector_store %arg19[%swap3A_264, %swap3A_265], %mul3A_263 {strides = array<i32>} : memref<128x128xf32, #tpu.memory_space<vmem>>, vector<16xf32>,
        %add3A_267 = arith.constant 2 : i32
        %add3A_268 = arith.addi %mul3A_150, %add3A_267 : i32
        %broadcast_in_dim3A_269 = vector.broadcast %add3A_268 : i32 to vector<16xi32>
        %gather3A_270 = tpu.vector_load_idx %arg16[%broadcast_in_dim3A_269] : memref<128xf32, #tpu.memory_space<vmem>>[vector<16xi32>], vector<16xf32>,
        %get3A_271 = arith.index_cast %add3A_268 : i32 to index
        %get3A_272 = arith.constant 0 : index
        %get3A_273 = tpu.vector_load %arg19[%get3A_271, %get3A_272] {strides = array<i32>} : memref<128x128xf32, #tpu.memory_space<vmem>>, vector<16xf32>,
        %mul3A_274 = arith.mulf %get3A_273, %gather3A_270 : vector<16xf32>
        %swap3A_275 = arith.index_cast %add3A_268 : i32 to index
        %swap3A_276 = arith.constant 0 : index
        %swap3A_277 = tpu.vector_load %arg19[%swap3A_275, %swap3A_276] {strides = array<i32>} : memref<128x128xf32, #tpu.memory_space<vmem>>, vector<16xf32>,
        tpu.vector_store %arg19[%swap3A_275, %swap3A_276], %mul3A_274 {strides = array<i32>} : memref<128x128xf32, #tpu.memory_space<vmem>>, vector<16xf32>,
        %get3A_278 = arith.index_cast %add3A_268 : i32 to index
        %get3A_279 = arith.constant 16 : index
        %get3A_280 = tpu.vector_load %arg19[%get3A_278, %get3A_279] {strides = array<i32>} : memref<128x128xf32, #tpu.memory_space<vmem>>, vector<16xf32>,
        %mul3A_281 = arith.mulf %get3A_280, %gather3A_270 : vector<16xf32>
        %swap3A_282 = arith.index_cast %add3A_268 : i32 to index
        %swap3A_283 = arith.constant 16 : index
        %swap3A_284 = tpu.vector_load %arg19[%swap3A_282, %swap3A_283] {strides = array<i32>} : memref<128x128xf32, #tpu.memory_space<vmem>>, vector<16xf32>,
        tpu.vector_store %arg19[%swap3A_282, %swap3A_283], %mul3A_281 {strides = array<i32>} : memref<128x128xf32, #tpu.memory_space<vmem>>, vector<16xf32>,
        %get3A_285 = arith.index_cast %add3A_268 : i32 to index
        %get3A_286 = arith.constant 32 : index
        %get3A_287 = tpu.vector_load %arg19[%get3A_285, %get3A_286] {strides = array<i32>} : memref<128x128xf32, #tpu.memory_space<vmem>>, vector<16xf32>,
        %mul3A_288 = arith.mulf %get3A_287, %gather3A_270 : vector<16xf32>
        %swap3A_289 = arith.index_cast %add3A_268 : i32 to index
        %swap3A_290 = arith.constant 32 : index
        %swap3A_291 = tpu.vector_load %arg19[%swap3A_289, %swap3A_290] {strides = array<i32>} : memref<128x128xf32, #tpu.memory_space<vmem>>, vector<16xf32>,
        tpu.vector_store %arg19[%swap3A_289, %swap3A_290], %mul3A_288 {strides = array<i32>} : memref<128x128xf32, #tpu.memory_space<vmem>>, vector<16xf32>,
        %get3A_292 = arith.index_cast %add3A_268 : i32 to index
        %get3A_293 = arith.constant 48 : index
        %get3A_294 = tpu.vector_load %arg19[%get3A_292, %get3A_293] {strides = array<i32>} : memref<128x128xf32, #tpu.memory_space<vmem>>, vector<16xf32>,
        %mul3A_295 = arith.mulf %get3A_294, %gather3A_270 : vector<16xf32>
        %swap3A_296 = arith.index_cast %add3A_268 : i32 to index
        %swap3A_297 = arith.constant 48 : index
        %swap3A_298 = tpu.vector_load %arg19[%swap3A_296, %swap3A_297] {strides = array<i32>} : memref<128x128xf32, #tpu.memory_space<vmem>>, vector<16xf32>,
        tpu.vector_store %arg19[%swap3A_296, %swap3A_297], %mul3A_295 {strides = array<i32>} : memref<128x128xf32, #tpu.memory_space<vmem>>, vector<16xf32>,
        %get3A_299 = arith.index_cast %add3A_268 : i32 to index
        %get3A_300 = arith.constant 64 : index
        %get3A_301 = tpu.vector_load %arg19[%get3A_299, %get3A_300] {strides = array<i32>} : memref<128x128xf32, #tpu.memory_space<vmem>>, vector<16xf32>,
        %mul3A_302 = arith.mulf %get3A_301, %gather3A_270 : vector<16xf32>
        %swap3A_303 = arith.index_cast %add3A_268 : i32 to index
        %swap3A_304 = arith.constant 64 : index
        %swap3A_305 = tpu.vector_load %arg19[%swap3A_303, %swap3A_304] {strides = array<i32>} : memref<128x128xf32, #tpu.memory_space<vmem>>, vector<16xf32>,
        tpu.vector_store %arg19[%swap3A_303, %swap3A_304], %mul3A_302 {strides = array<i32>} : memref<128x128xf32, #tpu.memory_space<vmem>>, vector<16xf32>,
        %get3A_306 = arith.index_cast %add3A_268 : i32 to index
        %get3A_307 = arith.constant 80 : index
        %get3A_308 = tpu.vector_load %arg19[%get3A_306, %get3A_307] {strides = array<i32>} : memref<128x128xf32, #tpu.memory_space<vmem>>, vector<16xf32>,
        %mul3A_309 = arith.mulf %get3A_308, %gather3A_270 : vector<16xf32>
        %swap3A_310 = arith.index_cast %add3A_268 : i32 to index
        %swap3A_311 = arith.constant 80 : index
        %swap3A_312 = tpu.vector_load %arg19[%swap3A_310, %swap3A_311] {strides = array<i32>} : memref<128x128xf32, #tpu.memory_space<vmem>>, vector<16xf32>,
        tpu.vector_store %arg19[%swap3A_310, %swap3A_311], %mul3A_309 {strides = array<i32>} : memref<128x128xf32, #tpu.memory_space<vmem>>, vector<16xf32>,
        %get3A_313 = arith.index_cast %add3A_268 : i32 to index
        %get3A_314 = arith.constant 96 : index
        %get3A_315 = tpu.vector_load %arg19[%get3A_313, %get3A_314] {strides = array<i32>} : memref<128x128xf32, #tpu.memory_space<vmem>>, vector<16xf32>,
        %mul3A_316 = arith.mulf %get3A_315, %gather3A_270 : vector<16xf32>
        %swap3A_317 = arith.index_cast %add3A_268 : i32 to index
        %swap3A_318 = arith.constant 96 : index
        %swap3A_319 = tpu.vector_load %arg19[%swap3A_317, %swap3A_318] {strides = array<i32>} : memref<128x128xf32, #tpu.memory_space<vmem>>, vector<16xf32>,
        tpu.vector_store %arg19[%swap3A_317, %swap3A_318], %mul3A_316 {strides = array<i32>} : memref<128x128xf32, #tpu.memory_space<vmem>>, vector<16xf32>,
        %get3A_320 = arith.index_cast %add3A_268 : i32 to index
        %get3A_321 = arith.constant 112 : index
        %get3A_322 = tpu.vector_load %arg19[%get3A_320, %get3A_321] {strides = array<i32>} : memref<128x128xf32, #tpu.memory_space<vmem>>, vector<16xf32>,
        %mul3A_323 = arith.mulf %get3A_322, %gather3A_270 : vector<16xf32>
        %swap3A_324 = arith.index_cast %add3A_268 : i32 to index
        %swap3A_325 = arith.constant 112 : index
        %swap3A_326 = tpu.vector_load %arg19[%swap3A_324, %swap3A_325] {strides = array<i32>} : memref<128x128xf32, #tpu.memory_space<vmem>>, vector<16xf32>,
        tpu.vector_store %arg19[%swap3A_324, %swap3A_325], %mul3A_323 {strides = array<i32>} : memref<128x128xf32, #tpu.memory_space<vmem>>, vector<16xf32>,
        %add3A_327 = arith.constant 3 : i32
        %add3A_328 = arith.addi %mul3A_150, %add3A_327 : i32
        %broadcast_in_dim3A_329 = vector.broadcast %add3A_328 : i32 to vector<16xi32>
        %gather3A_330 = tpu.vector_load_idx %arg16[%broadcast_in_dim3A_329] : memref<128xf32, #tpu.memory_space<vmem>>[vector<16xi32>], vector<16xf32>,
        %get3A_331 = arith.index_cast %add3A_328 : i32 to index
        %get3A_332 = arith.constant 0 : index
        %get3A_333 = tpu.vector_load %arg19[%get3A_331, %get3A_332] {strides = array<i32>} : memref<128x128xf32, #tpu.memory_space<vmem>>, vector<16xf32>,
        %mul3A_334 = arith.mulf %get3A_333, %gather3A_330 : vector<16xf32>
        %swap3A_335 = arith.index_cast %add3A_328 : i32 to index
        %swap3A_336 = arith.constant 0 : index
        %swap3A_337 = tpu.vector_load %arg19[%swap3A_335, %swap3A_336] {strides = array<i32>} : memref<128x128xf32, #tpu.memory_space<vmem>>, vector<16xf32>,
        tpu.vector_store %arg19[%swap3A_335, %swap3A_336], %mul3A_334 {strides = array<i32>} : memref<128x128xf32, #tpu.memory_space<vmem>>, vector<16xf32>,
        %get3A_338 = arith.index_cast %add3A_328 : i32 to index
        %get3A_339 = arith.constant 16 : index
        %get3A_340 = tpu.vector_load %arg19[%get3A_338, %get3A_339] {strides = array<i32>} : memref<128x128xf32, #tpu.memory_space<vmem>>, vector<16xf32>,
        %mul3A_341 = arith.mulf %get3A_340, %gather3A_330 : vector<16xf32>
        %swap3A_342 = arith.index_cast %add3A_328 : i32 to index
        %swap3A_343 = arith.constant 16 : index
        %swap3A_344 = tpu.vector_load %arg19[%swap3A_342, %swap3A_343] {strides = array<i32>} : memref<128x128xf32, #tpu.memory_space<vmem>>, vector<16xf32>,
        tpu.vector_store %arg19[%swap3A_342, %swap3A_343], %mul3A_341 {strides = array<i32>} : memref<128x128xf32, #tpu.memory_space<vmem>>, vector<16xf32>,
        %get3A_345 = arith.index_cast %add3A_328 : i32 to index
        %get3A_346 = arith.constant 32 : index
        %get3A_347 = tpu.vector_load %arg19[%get3A_345, %get3A_346] {strides = array<i32>} : memref<128x128xf32, #tpu.memory_space<vmem>>, vector<16xf32>,
        %mul3A_348 = arith.mulf %get3A_347, %gather3A_330 : vector<16xf32>
        %swap3A_349 = arith.index_cast %add3A_328 : i32 to index
        %swap3A_350 = arith.constant 32 : index
        %swap3A_351 = tpu.vector_load %arg19[%swap3A_349, %swap3A_350] {strides = array<i32>} : memref<128x128xf32, #tpu.memory_space<vmem>>, vector<16xf32>,
        tpu.vector_store %arg19[%swap3A_349, %swap3A_350], %mul3A_348 {strides = array<i32>} : memref<128x128xf32, #tpu.memory_space<vmem>>, vector<16xf32>,
        %get3A_352 = arith.index_cast %add3A_328 : i32 to index
        %get3A_353 = arith.constant 48 : index
        %get3A_354 = tpu.vector_load %arg19[%get3A_352, %get3A_353] {strides = array<i32>} : memref<128x128xf32, #tpu.memory_space<vmem>>, vector<16xf32>,
        %mul3A_355 = arith.mulf %get3A_354, %gather3A_330 : vector<16xf32>
        %swap3A_356 = arith.index_cast %add3A_328 : i32 to index
        %swap3A_357 = arith.constant 48 : index
        %swap3A_358 = tpu.vector_load %arg19[%swap3A_356, %swap3A_357] {strides = array<i32>} : memref<128x128xf32, #tpu.memory_space<vmem>>, vector<16xf32>,
        tpu.vector_store %arg19[%swap3A_356, %swap3A_357], %mul3A_355 {strides = array<i32>} : memref<128x128xf32, #tpu.memory_space<vmem>>, vector<16xf32>,
        %get3A_359 = arith.index_cast %add3A_328 : i32 to index
        %get3A_360 = arith.constant 64 : index
        %get3A_361 = tpu.vector_load %arg19[%get3A_359, %get3A_360] {strides = array<i32>} : memref<128x128xf32, #tpu.memory_space<vmem>>, vector<16xf32>,
        %mul3A_362 = arith.mulf %get3A_361, %gather3A_330 : vector<16xf32>
        %swap3A_363 = arith.index_cast %add3A_328 : i32 to index
        %swap3A_364 = arith.constant 64 : index
        %swap3A_365 = tpu.vector_load %arg19[%swap3A_363, %swap3A_364] {strides = array<i32>} : memref<128x128xf32, #tpu.memory_space<vmem>>, vector<16xf32>,
        tpu.vector_store %arg19[%swap3A_363, %swap3A_364], %mul3A_362 {strides = array<i32>} : memref<128x128xf32, #tpu.memory_space<vmem>>, vector<16xf32>,
        %get3A_366 = arith.index_cast %add3A_328 : i32 to index
        %get3A_367 = arith.constant 80 : index
        %get3A_368 = tpu.vector_load %arg19[%get3A_366, %get3A_367] {strides = array<i32>} : memref<128x128xf32, #tpu.memory_space<vmem>>, vector<16xf32>,
        %mul3A_369 = arith.mulf %get3A_368, %gather3A_330 : vector<16xf32>
        %swap3A_370 = arith.index_cast %add3A_328 : i32 to index
        %swap3A_371 = arith.constant 80 : index
        %swap3A_372 = tpu.vector_load %arg19[%swap3A_370, %swap3A_371] {strides = array<i32>} : memref<128x128xf32, #tpu.memory_space<vmem>>, vector<16xf32>,
        tpu.vector_store %arg19[%swap3A_370, %swap3A_371], %mul3A_369 {strides = array<i32>} : memref<128x128xf32, #tpu.memory_space<vmem>>, vector<16xf32>,
        %get3A_373 = arith.index_cast %add3A_328 : i32 to index
        %get3A_374 = arith.constant 96 : index
        %get3A_375 = tpu.vector_load %arg19[%get3A_373, %get3A_374] {strides = array<i32>} : memref<128x128xf32, #tpu.memory_space<vmem>>, vector<16xf32>,
        %mul3A_376 = arith.mulf %get3A_375, %gather3A_330 : vector<16xf32>
        %swap3A_377 = arith.index_cast %add3A_328 : i32 to index
        %swap3A_378 = arith.constant 96 : index
        %swap3A_379 = tpu.vector_load %arg19[%swap3A_377, %swap3A_378] {strides = array<i32>} : memref<128x128xf32, #tpu.memory_space<vmem>>, vector<16xf32>,
        tpu.vector_store %arg19[%swap3A_377, %swap3A_378], %mul3A_376 {strides = array<i32>} : memref<128x128xf32, #tpu.memory_space<vmem>>, vector<16xf32>,
        %get3A_380 = arith.index_cast %add3A_328 : i32 to index
        %get3A_381 = arith.constant 112 : index
        %get3A_382 = tpu.vector_load %arg19[%get3A_380, %get3A_381] {strides = array<i32>} : memref<128x128xf32, #tpu.memory_space<vmem>>, vector<16xf32>,
        %mul3A_383 = arith.mulf %get3A_382, %gather3A_330 : vector<16xf32>
        %swap3A_384 = arith.index_cast %add3A_328 : i32 to index
        %swap3A_385 = arith.constant 112 : index
        %swap3A_386 = tpu.vector_load %arg19[%swap3A_384, %swap3A_385] {strides = array<i32>} : memref<128x128xf32, #tpu.memory_space<vmem>>, vector<16xf32>,
        tpu.vector_store %arg19[%swap3A_384, %swap3A_385], %mul3A_383 {strides = array<i32>} : memref<128x128xf32, #tpu.memory_space<vmem>>, vector<16xf32>,
      }
      %scan3A_131 = arith.constant 32 : i32
      %mul3A_132 = arith.constant 128 : i32
      %mul3A_133 = arith.muli %add3A_115, %mul3A_132 : i32
      %add3A_134 = arith.addi %mul3A_2, %mul3A_133 : i32
      %dma_wait3A_135 = tpu.memref_slice %arg4[%add3A_134] : memref<331776xi32, #tpu.memory_space<hbm>> -> memref<128xi32, #tpu.memory_space<hbm>>
      %dma_wait3A_136 = tpu.memref_slice %arg4[%add3A_134] : memref<331776xi32, #tpu.memory_space<hbm>> -> memref<128xi32, #tpu.memory_space<hbm>>
      tpu.wait_dma2 semaphore(%arg29 : memref<!tpu.dma_semaphore, #tpu.memory_space<semaphore_mem>>) src(%dma_wait3A_136 : memref<128xi32, #tpu.memory_space<hbm>>) dst(%arg13 : memref<128xi32, #tpu.memory_space<vmem>>)
      %dma_start3A_137 = arith.constant 0 : i32
      %dma_start3A_138 = arith.constant 0 : i32
      %dma_start3A_139 = tpu.memref_slice %arg20[%dma_start3A_137, %dma_start3A_138] : memref<10000x128xf32, #tpu.memory_space<vmem_shared>> -> memref<10000x128xf32, #tpu.memory_space<vmem_shared>>
      tpu.enqueue_indirect_dma source(%arg19 : memref<128x128xf32, #tpu.memory_space<vmem>>) target(%dma_start3A_139 : memref<10000x128xf32, #tpu.memory_space<vmem_shared>>) offsets(%arg13 : memref<128xi32, #tpu.memory_space<vmem>>) semaphore(%arg26 : memref<!tpu.dma_semaphore, #tpu.memory_space<semaphore_mem>>) {add = true}
      %ge3A_140 = arith.constant 1 : i32
      %ge3A_141 = arith.cmpi sge, %add3A_115, %ge3A_140 : i32
      %convert_element_type3A_142 = arith.extui %ge3A_141 : i1 to i32
      %cond3A_143 = arith.constant 0 : i32
      %cond3A_144 = arith.cmpi ne, %convert_element_type3A_142, %cond3A_143 : i32
      scf.if %cond3A_144 {
        %dma_wait3A_148 = arith.constant 0 : i32
        %dma_wait3A_149 = arith.constant 0 : i32
        %dma_wait3A_150 = tpu.memref_slice %arg20[%dma_wait3A_148, %dma_wait3A_149] : memref<10000x128xf32, #tpu.memory_space<vmem_shared>> -> memref<10000x128xf32, #tpu.memory_space<vmem_shared>>
        tpu.wait_indirect_dma semaphore(%arg25 : memref<!tpu.dma_semaphore, #tpu.memory_space<semaphore_mem>>) src(%arg18 : memref<128x128xf32, #tpu.memory_space<vmem>>) dst(%dma_wait3A_150 : memref<10000x128xf32, #tpu.memory_space<vmem_shared>>)
      } else {
      }
      %convert_element_type3A_145 = arith.extui %le3A_119 : i1 to i32
      %cond3A_146 = arith.constant 0 : i32
      %cond3A_147 = arith.cmpi ne, %convert_element_type3A_145, %cond3A_146 : i32
      scf.if %cond3A_147 {
        %mul3A_148 = arith.constant 128 : i32
        %mul3A_149 = arith.muli %add3A_117, %mul3A_148 : i32
        %add3A_150 = arith.addi %mul3A_2, %mul3A_149 : i32
        %dma_start3A_151 = tpu.memref_slice %arg4[%add3A_150] : memref<331776xi32, #tpu.memory_space<hbm>> -> memref<128xi32, #tpu.memory_space<hbm>>
        %dma_start3A_152 = tpu.memref_slice %arg4[%add3A_150] : memref<331776xi32, #tpu.memory_space<hbm>> -> memref<128xi32, #tpu.memory_space<hbm>>
        tpu.enqueue_dma source(%dma_start3A_152 : memref<128xi32, #tpu.memory_space<hbm>>) target(%arg12 : memref<128xi32, #tpu.memory_space<vmem>>) target_semaphore(%arg28 : memref<!tpu.dma_semaphore, #tpu.memory_space<semaphore_mem>>)
        %mul3A_153 = arith.constant 128 : i32
        %mul3A_154 = arith.muli %add3A_117, %mul3A_153 : i32
        %add3A_155 = arith.addi %mul3A_2, %mul3A_154 : i32
        %dma_wait3A_156 = tpu.memref_slice %arg3[%add3A_155] : memref<331776xi32, #tpu.memory_space<hbm>> -> memref<128xi32, #tpu.memory_space<hbm>>
        %dma_wait3A_157 = tpu.memref_slice %arg3[%add3A_155] : memref<331776xi32, #tpu.memory_space<hbm>> -> memref<128xi32, #tpu.memory_space<hbm>>
        tpu.wait_dma2 semaphore(%arg30 : memref<!tpu.dma_semaphore, #tpu.memory_space<semaphore_mem>>) src(%dma_wait3A_157 : memref<128xi32, #tpu.memory_space<hbm>>) dst(%arg9 : memref<128xi32, #tpu.memory_space<vmem>>)
        %mul3A_158 = arith.constant 128 : i32
        %mul3A_159 = arith.muli %add3A_117, %mul3A_158 : i32
        %add3A_160 = arith.addi %mul3A_2, %mul3A_159 : i32
        %dma_wait3A_161 = tpu.memref_slice %arg5[%add3A_160] : memref<331776xf32, #tpu.memory_space<hbm>> -> memref<128xf32, #tpu.memory_space<hbm>>
        %dma_wait3A_162 = tpu.memref_slice %arg5[%add3A_160] : memref<331776xf32, #tpu.memory_space<hbm>> -> memref<128xf32, #tpu.memory_space<hbm>>
        tpu.wait_dma2 semaphore(%arg30 : memref<!tpu.dma_semaphore, #tpu.memory_space<semaphore_mem>>) src(%dma_wait3A_162 : memref<128xf32, #tpu.memory_space<hbm>>) dst(%arg15 : memref<128xf32, #tpu.memory_space<vmem>>)
        %dma_start3A_163 = arith.constant 0 : i32
        %dma_start3A_164 = arith.constant 0 : i32
        %dma_start3A_165 = tpu.memref_slice %arg2[%dma_start3A_163, %dma_start3A_164] : memref<10000x128xf32, #tpu.memory_space<hbm>> -> memref<10000x128xf32, #tpu.memory_space<hbm>>
        tpu.enqueue_indirect_dma source(%dma_start3A_165 : memref<10000x128xf32, #tpu.memory_space<hbm>>) target(%arg18 : memref<128x128xf32, #tpu.memory_space<vmem>>) offsets(%arg9 : memref<128xi32, #tpu.memory_space<vmem>>) semaphore(%arg22 : memref<!tpu.dma_semaphore, #tpu.memory_space<semaphore_mem>>)
      } else {
      }
    }
    %scan3A_32 = arith.constant 27 : i32
    %dma_wait3A = arith.constant 0 : i32
    %dma_wait3A_33 = arith.constant 0 : i32
    %dma_wait3A_34 = tpu.memref_slice %arg20[%dma_wait3A, %dma_wait3A_33] : memref<10000x128xf32, #tpu.memory_space<vmem_shared>> -> memref<10000x128xf32, #tpu.memory_space<vmem_shared>>
    tpu.wait_indirect_dma semaphore(%arg26 : memref<!tpu.dma_semaphore, #tpu.memory_space<semaphore_mem>>) src(%arg19 : memref<128x128xf32, #tpu.memory_space<vmem>>) dst(%dma_wait3A_34 : memref<10000x128xf32, #tpu.memory_space<vmem_shared>>)
    %barrier3A_35 = arith.constant 0 : index
    tpu.barrier barrier_id(%barrier3A_35)
    "tpu.region"() ({
      %run_scoped3A = tpu.sem_alloc : memref<!tpu.dma_semaphore, #tpu.memory_space<semaphore_mem>>
      %dma_start3A_41 = arith.constant 0 : i32
      %dma_start3A_42 = arith.constant 0 : i32
      %dma_start3A_43 = tpu.memref_slice %arg7[%arg0, %dma_start3A_41, %dma_start3A_42] : memref<2x10000x128xf32, #tpu.memory_space<hbm>> -> memref<1x10000x128xf32, #tpu.memory_space<hbm>>
      %dma_start3A_44 = tpu.memref_squeeze %dma_start3A_43 : memref<1x10000x128xf32, #tpu.memory_space<hbm>> -> memref<10000x128xf32, #tpu.memory_space<hbm>>
      %dma_start3A_45 = arith.constant 0 : i32
      %dma_start3A_46 = tpu.memref_slice %dma_start3A_44[%mul3A_25, %dma_start3A_45] : memref<10000x128xf32, #tpu.memory_space<hbm>> -> memref<624x128xf32, #tpu.memory_space<hbm>>
      %dma_start3A_47 = arith.constant 0 : i32
      %dma_start3A_48 = tpu.memref_slice %arg20[%mul3A_25, %dma_start3A_47] : memref<10000x128xf32, #tpu.memory_space<vmem_shared>> -> memref<624x128xf32, #tpu.memory_space<vmem_shared>>
      tpu.enqueue_dma source(%dma_start3A_48 : memref<624x128xf32, #tpu.memory_space<vmem_shared>>) target(%dma_start3A_46 : memref<624x128xf32, #tpu.memory_space<hbm>>) target_semaphore(%run_scoped3A : memref<!tpu.dma_semaphore, #tpu.memory_space<semaphore_mem>>)
      %dma_wait3A_49 = arith.constant 0 : i32
      %dma_wait3A_50 = arith.constant 0 : i32
      %dma_wait3A_51 = tpu.memref_slice %arg7[%arg0, %dma_wait3A_49, %dma_wait3A_50] : memref<2x10000x128xf32, #tpu.memory_space<hbm>> -> memref<1x10000x128xf32, #tpu.memory_space<hbm>>
      %dma_wait3A_52 = tpu.memref_squeeze %dma_wait3A_51 : memref<1x10000x128xf32, #tpu.memory_space<hbm>> -> memref<10000x128xf32, #tpu.memory_space<hbm>>
      %dma_wait3A_53 = arith.constant 0 : i32
      %dma_wait3A_54 = tpu.memref_slice %dma_wait3A_52[%mul3A_25, %dma_wait3A_53] : memref<10000x128xf32, #tpu.memory_space<hbm>> -> memref<624x128xf32, #tpu.memory_space<hbm>>
      %dma_wait3A_55 = arith.constant 0 : i32
      %dma_wait3A_56 = tpu.memref_slice %arg20[%mul3A_25, %dma_wait3A_55] : memref<10000x128xf32, #tpu.memory_space<vmem_shared>> -> memref<624x128xf32, #tpu.memory_space<vmem_shared>>
      tpu.wait_dma2 semaphore(%run_scoped3A : memref<!tpu.dma_semaphore, #tpu.memory_space<semaphore_mem>>) src(%dma_wait3A_56 : memref<624x128xf32, #tpu.memory_space<vmem_shared>>) dst(%dma_wait3A_54 : memref<624x128xf32, #tpu.memory_space<hbm>>)
      tpu.yield
    }) : () -> ()
    %eq3A_36 = arith.constant 15 : i32
    %eq3A_37 = arith.cmpi eq, %arg1, %eq3A_36 : i32
    %convert_element_type3A_38 = arith.extui %eq3A_37 : i1 to i32
    %cond3A_39 = arith.constant 0 : i32
    %cond3A_40 = arith.cmpi ne, %convert_element_type3A_38, %cond3A_39 : i32
    scf.if %cond3A_40 {
      "tpu.region"() ({
        %run_scoped3A = tpu.sem_alloc : memref<!tpu.dma_semaphore, #tpu.memory_space<semaphore_mem>>
        %dma_start3A_41 = arith.constant 0 : i32
        %dma_start3A_42 = arith.constant 0 : i32
        %dma_start3A_43 = tpu.memref_slice %arg7[%arg0, %dma_start3A_41, %dma_start3A_42] : memref<2x10000x128xf32, #tpu.memory_space<hbm>> -> memref<1x10000x128xf32, #tpu.memory_space<hbm>>
        %dma_start3A_44 = tpu.memref_squeeze %dma_start3A_43 : memref<1x10000x128xf32, #tpu.memory_space<hbm>> -> memref<10000x128xf32, #tpu.memory_space<hbm>>
        %dma_start3A_45 = arith.constant 9984 : i32
        %dma_start3A_46 = arith.constant 0 : i32
        %dma_start3A_47 = tpu.memref_slice %dma_start3A_44[%dma_start3A_45, %dma_start3A_46] : memref<10000x128xf32, #tpu.memory_space<hbm>> -> memref<16x128xf32, #tpu.memory_space<hbm>>
        %dma_start3A_48 = arith.constant 9984 : i32
        %dma_start3A_49 = arith.constant 0 : i32
        %dma_start3A_50 = tpu.memref_slice %arg20[%dma_start3A_48, %dma_start3A_49] : memref<10000x128xf32, #tpu.memory_space<vmem_shared>> -> memref<16x128xf32, #tpu.memory_space<vmem_shared>>
        tpu.enqueue_dma source(%dma_start3A_50 : memref<16x128xf32, #tpu.memory_space<vmem_shared>>) target(%dma_start3A_47 : memref<16x128xf32, #tpu.memory_space<hbm>>) target_semaphore(%run_scoped3A : memref<!tpu.dma_semaphore, #tpu.memory_space<semaphore_mem>>)
        %dma_wait3A_51 = arith.constant 0 : i32
        %dma_wait3A_52 = arith.constant 0 : i32
        %dma_wait3A_53 = tpu.memref_slice %arg7[%arg0, %dma_wait3A_51, %dma_wait3A_52] : memref<2x10000x128xf32, #tpu.memory_space<hbm>> -> memref<1x10000x128xf32, #tpu.memory_space<hbm>>
        %dma_wait3A_54 = tpu.memref_squeeze %dma_wait3A_53 : memref<1x10000x128xf32, #tpu.memory_space<hbm>> -> memref<10000x128xf32, #tpu.memory_space<hbm>>
        %dma_wait3A_55 = arith.constant 9984 : i32
        %dma_wait3A_56 = arith.constant 0 : i32
        %dma_wait3A_57 = tpu.memref_slice %dma_wait3A_54[%dma_wait3A_55, %dma_wait3A_56] : memref<10000x128xf32, #tpu.memory_space<hbm>> -> memref<16x128xf32, #tpu.memory_space<hbm>>
        %dma_wait3A_58 = arith.constant 9984 : i32
        %dma_wait3A_59 = arith.constant 0 : i32
        %dma_wait3A_60 = tpu.memref_slice %arg20[%dma_wait3A_58, %dma_wait3A_59] : memref<10000x128xf32, #tpu.memory_space<vmem_shared>> -> memref<16x128xf32, #tpu.memory_space<vmem_shared>>
        tpu.wait_dma2 semaphore(%run_scoped3A : memref<!tpu.dma_semaphore, #tpu.memory_space<semaphore_mem>>) src(%dma_wait3A_60 : memref<16x128xf32, #tpu.memory_space<vmem_shared>>) dst(%dma_wait3A_57 : memref<16x128xf32, #tpu.memory_space<hbm>>)
        tpu.yield
      }) : () -> ()
    } else {
    }
    return
  }
}

</mosaic_0001>

<sc_bundles>
// kernel: _sc_aggregate.3.cloned.1.call-start
scs
__scs_entry_jumppad:
0x0: {  	(pc) =	sbr.rel $0x88, $3  }
0x1: {  	(tag) =	ssettag $0x0;
	lr =	simm.s32 $0x1  }
0x2: {  	[smem:$0x3F9C] =	sst lr;
	_ =	strace $0xD0000000  }
0x3: {  	_ = 	snop  }
0x4: {  	_ = 	snop  }
0x5: {  	_ = 	snop  }
0x6: {  	_ = 	snop  }
0x7: {  	_ = 	snop  }
__scs_overlays_trampoline_lowered:
0x8: {  	[smem:$0x3FAB] =	sst s0  }
0x9: {  	[smem:$0x3FAC] =	sst s1  }
0xa: {  	[smem:$0x3FAD] =	sst s2  }
0xb: {  	[smem:$0x3FAE] =	sst s3  }
0xc: {  	[smem:$0x3FAF] =	sst s4  }
0xd: {  	[smem:$0x3FB0] =	sst s5  }
0xe: {  	[smem:$0x3FB1] =	sst s6  }
0xf: {  	[smem:$0x3FB2] =	sst s7  }
0x10: {  	[smem:$0x3FB3] =	sst s8  }
0x11: {  	[smem:$0x3FB4] =	sst s9;
	s0 =	simm.s32 @!p0 $0x0  }
0x12: {  	s1 =	sld [smem:$0x3F9A];
	s0 =	simm.s32 @p0 $0x1  }
0x13: {  	[smem:$0x3FB5] =	sst s0;
	s0 =	simm.s32 @!p1 $0x0  }
0x14: {  	s2 =	sld [smem:$0x3F99];
	s0 =	simm.s32 @p1 $0x1  }
0x15: {  	[smem:$0x3FB6] =	sst s0;
	s0 =	simm.s32 @!p2 $0x0  }
0x16: {  	s3 =	sld [smem:$0x3FDB];
	s0 =	simm.s32 @p2 $0x1  }
0x17: {  	s4 =	simm.s32 $0x1BF5;
	[smem:$0x3FB8] =	sst s0  }
0x18: {  	s0 =	sld [smem:$0x3F9B];
	_ =	swait.ge [sflag:s4], $0x0  }
0x19: {  	s7 =	sld [smem:$0x3F9C]  }
0x1a: {  	s8 =	sadd.s32 $0xFFFFE003, lr  }
0x1b: {  	s9 =	sadd.s32 $0xFFFFFEF7, lr;
	s5 =	simm.s32 $0xFFFFFFFF;
	p2 =	slt.u32 s8, $0xFFFFF086  }
0x1c: {  	p1 =	slt.u32 s9, $0xF7A;
	s5 =	simm.s32 @!p2 $0x0  }
0x1d: {  	s5 =	simm.s32 @p1 $0x1;
	p0 =	seq.s32 s7, s2  }
0x1e: {  	s7 =	smul.u32 @!p0 $0xF7A, s2;
	p2 =	seq.s32 @!p0 s5, $0x0  }
0x1f: {  	s9 =	smul.u32 $0xF7A, s1;
	s8 =	simm.s32 @!p0 $0x1BF5;
	p2 =	por !p2, p0  }
0x20: {  	[sflag:s8] =	ssyncset.s32 @!p0 $0xFFFFF086;
	s6 =	sadd.s32 @!p0 s3, s7;
	s7 =	simm.s32 @!p0 $0x108  }
0x21: {  	s3 =	sadd.s32 s3, s9;
	s6 =	sadd.s32 @!p0 $0x88, s6;
	s7 =	simm.s32 @p2 $0x1082  }
0x22: {  	[simem:s7], [sflag:s8] =	dma.local @!p0 [hbm:s6], $0xF7A  }
0x23: {  	s9 =	sor.u32 $0xD0000000, s2;
	s6 =	simm.s32 $0x108;
	_ =	swait.ge @!p0 [sflag:s8], $0x0  }
0x24: {  	s3 =	sadd.s32 $0x88, s3;
	s6 =	simm.s32 @!p1 $0x1082;
	[sflag:s4] =	ssyncset.s32 $0xFFFFF086  }
0x25: {  	[simem:s6], [sflag:s4] =	dma.local [hbm:s3], $0xF7A  }
0x26: {  	[smem:$0x3F9C] =	sst s1;
	(tag) =	ssettag s2;
	_ =	strace s9  }
0x27: {  	s1 =	sld [smem:$0x3FAC]  }
0x28: {  	s2 =	sld [smem:$0x3FAD]  }
0x29: {  	s4 =	sld [smem:$0x3FAF]  }
0x2a: {  	p0 =	seq.s32 s5, $0x0;
	s5 =	sld [smem:$0x3FB0]  }
0x2b: {  	s6 =	sld [smem:$0x3FB1]  }
0x2c: {  	s7 =	sld [smem:$0x3FB2]  }
0x2d: {  	s3 =	simm.s32 $0x108;
	s8 =	sld [smem:$0x3FB3]  }
0x2e: {  	s3 =	simm.s32 @!p0 $0x1082;
	s9 =	sld [smem:$0x3FB4]  }
0x2f: {  	lr =	sadd.s32 s0, s3;
	s0 =	sld [smem:$0x3FAB]  }
0x30: {  	s3 =	sld [smem:$0x3FAE]  }
0x31: {  	[smem:$0x3FB7] =	sst s10  }
0x32: {  	s10 =	sld [smem:$0x3FB5];
	_ =	sdelay $0x3  }
0x33: {  	p0 =	seq.s32 s10, $0x1;
	s10 =	sld [smem:$0x3FB7];
	_ =	sdelay $0x3  }
0x34: {  	[smem:$0x3FB7] =	sst s10  }
0x35: {  	s10 =	sld [smem:$0x3FB6];
	_ =	sdelay $0x3  }
0x36: {  	p1 =	seq.s32 s10, $0x1;
	s10 =	sld [smem:$0x3FB7];
	_ =	sdelay $0x3  }
0x37: {  	[smem:$0x3FB7] =	sst s10  }
0x38: {  	s10 =	sld [smem:$0x3FB8]  }
0x39: {  	_ = 	snop;
	(pc) =	sbr.ind lr, $3  }
0x3a: {  	_ = 	snop  }
0x3b: {  	_ = 	snop  }
0x3c: {  	p2 =	seq.s32 s10, $0x1;
	s10 =	sld [smem:$0x3FB7]  }
0x3d: {  	_ =	shalt  }
0x3e: {  	_ =	shalt  }
0x3f: {  	_ =	shalt  }
0x40: {  	_ =	shalt  }
0x41: {  	_ =	shalt  }
0x42: {  	_ =	shalt  }
0x43: {  	_ =	shalt  }
0x44: {  	_ =	shalt  }
0x45: {  	_ =	shalt  }
0x46: {  	_ =	shalt  }
0x47: {  	_ =	shalt  }
0x48: {  	_ =	shalt  }
0x49: {  	_ =	shalt  }
0x4a: {  	_ =	shalt  }
0x4b: {  	_ =	shalt  }
0x4c: {  	_ =	shalt  }
0x4d: {  	_ =	shalt  }
0x4e: {  	_ =	shalt  }
0x4f: {  	_ =	shalt  }
0x50: {  	_ =	shalt  }
0x51: {  	_ =	shalt  }
0x52: {  	_ =	shalt  }
0x53: {  	_ =	shalt  }
0x54: {  	_ =	shalt  }
0x55: {  	_ =	shalt  }
0x56: {  	_ =	shalt  }
0x57: {  	_ =	shalt  }
0x58: {  	_ =	shalt  }
0x59: {  	_ =	shalt  }
0x5a: {  	_ =	shalt  }
0x5b: {  	_ =	shalt  }
0x5c: {  	_ =	shalt  }
0x5d: {  	_ =	shalt  }
0x5e: {  	_ =	shalt  }
0x5f: {  	_ =	shalt  }
0x60: {  	_ =	shalt  }
0x61: {  	_ =	shalt  }
0x62: {  	_ =	shalt  }
0x63: {  	_ =	shalt  }
0x64: {  	_ =	shalt  }
0x65: {  	_ =	shalt  }
0x66: {  	_ =	shalt  }
0x67: {  	_ =	shalt  }
0x68: {  	_ =	shalt  }
0x69: {  	_ =	shalt  }
0x6a: {  	_ =	shalt  }
0x6b: {  	_ =	shalt  }
0x6c: {  	_ =	shalt  }
0x6d: {  	_ =	shalt  }
0x6e: {  	_ =	shalt  }
0x6f: {  	_ =	shalt  }
0x70: {  	_ =	shalt  }
0x71: {  	_ =	shalt  }
0x72: {  	_ =	shalt  }
0x73: {  	_ =	shalt  }
0x74: {  	_ =	shalt  }
0x75: {  	_ =	shalt  }
0x76: {  	_ =	shalt  }
0x77: {  	_ =	shalt  }
0x78: {  	_ =	shalt  }
0x79: {  	_ =	shalt  }
0x7a: {  	_ =	shalt  }
0x7b: {  	_ =	shalt  }
0x7c: {  	_ =	shalt  }
0x7d: {  	_ =	shalt  }
0x7e: {  	_ =	shalt  }
0x7f: {  	_ =	shalt  }
0x80: {  	_ =	shalt  }
0x81: {  	_ =	shalt  }
0x82: {  	_ =	shalt  }
0x83: {  	_ =	shalt  }
0x84: {  	_ =	shalt  }
0x85: {  	_ =	shalt  }
0x86: {  	_ =	shalt  }
0x87: {  	_ =	shalt  }
.Lfunc_end0:
.L_simem_size_0:
called_computation_lowered:
.L_overlay_start_0:
0x88: {  	s2 =	sld [smem:$0x3FD9]  }
0x89: {  	s3 =	sld [smem:$0x3FFE];
	_ =	sdelay $0x1  }
0x8a: {  	s1 =	srdreg.scid  }
0x8b: {  	s0 =	sand.u32 $0x1, s1  }
0x8c: {  	s18 =	sshll.u32 s0, $0xA;
	s2 =	sadd.s32 s3, s2  }
0x8d: {  	s2 =	sadd.s32 s2, s18  }
0x8e: {  	[smem:$0x3FC3] =	sst s2  }
0x8f: {  	_ = 	snop  }
0x90: {  	s2 =	sld [smem:$0x3FC9]  }
0x91: {  	s19 =	sld [smem:$0x3FC8]  }
0x92: {  	s4 =	sld [smem:$0x3FC7]  }
0x93: {  	s5 =	sld [smem:$0x3FC6]  }
0x94: {  	s6 =	sld [smem:$0x3FC5]  }
0x95: {  	s7 =	sld [smem:$0x3FD0];
	(tm) =	ssettm $0x1  }
0x96: {  	s8 =	sld [smem:$0x3FFB];
	_ =	sdelay $0x3  }
0x97: {  	_ =	strace s8  }
0x98: {  	s8 =	sld [smem:$0x3FFC];
	_ =	sdelay $0x3  }
0x99: {  	_ =	strace s8  }
0x9a: {  	s8 =	sld [smem:$0x3FFD];
	_ =	sdelay $0x3  }
0x9b: {  	_ =	strace s8  }
0x9c: {  	_ =	strace $0x8FFFFFFF  }
0x9d: {  	s20 =	sld [smem:$0x3FDB];
	_ =	sdelay $0x1  }
0x9e: {  	s9 =	simm.s32 $_scs_section_size  }
0x9f: {  	s10 =	simm.s32 $_size__tile_overlayer_lowered;
	s11 =	simm.s32 $_tile_overlayer_lowered  }
0xa0: {  	s23 =	simm.s32 $0x1BFF;
	s22 =	sshll.u32 s11, $0x1;
	s8 =	sadd.s32 s9, s20  }
0xa1: {  	s12 =	simm.s32 $0x0;
	s21 =	sshll.u32 s10, $0x1;
	s10 =	sadd.s32 s22, s8  }
0xa2: {  	[timem:s12], [sflag:s23] =	dma.local [hbm:s10], s21  }
0xa3: {  	_ =	swait.ge [sflag:s23], s21  }
0xa4: {  	s9 =	ssub.s32 $0x0, s21;
	[sflag:s23] =	ssyncset.done $0x0  }
0xa5: {  	[sflag:s23] =	ssyncadd.s32 s9;
	_ =	sdelay $0x1  }
0xa6: {  	s24 =	simm.s32 $0x1B8B  }
0xa7: {  	_ =	swait.ge [sflag:s24], $0x1  }
0xa8: {  	[sflag:s24] =	ssyncset.done $0x0  }
0xa9: {  	s25 =	simm.s32 $0x1B8E;
	[sflag:s24] =	ssyncadd.s32 $0xFFFFFFFF  }
0xaa: {  	s26 =	simm.s32 $execute0_lowered;
	[smem:$0x3FD2] =	sst s25  }
0xab: {  	s9 =	sshll.u32 s26, $0x1;
	_ =	strace $0x80000046;
	[dreg:$0x1] =	wrdreg $0xFFFFFFFF  }
0xac: {  	s28 =	simm.s32 $_size_execute0_lowered;
	s8 =	sadd.s32 s8, s9;
	[dreg:$0x0] =	wrdreg $0x0  }
0xad: {  	s9 =	sshll.u32 s28, $0x1;
	[dreg:$0x2] =	wrdreg s8  }
0xae: {  	[dreg:$0x3] =	wrdreg s9  }
0xaf: {  	[dreg:$0x4] =	wrdreg $0xC0  }
0xb0: {  	_ =	task [dreg:s12], $0x5FFFF  }
0xb1: {  	[dreg:$0x1] =	wrdreg $0xFFFFFFFF  }
0xb2: {  	[dreg:$0x0] =	wrdreg $0x60  }
0xb3: {  	[dreg:$0x2] =	wrdreg s2  }
0xb4: {  	[dreg:$0x3] =	wrdreg s19  }
0xb5: {  	[dreg:$0x4] =	wrdreg s4  }
0xb6: {  	[dreg:$0x5] =	wrdreg s5  }
0xb7: {  	[dreg:$0x6] =	wrdreg s6  }
0xb8: {  	[dreg:$0x7] =	wrdreg s7  }
0xb9: {  	[dreg:$0x8] =	wrdreg $0xC4800  }
0xba: {  	[dreg:$0x9] =	wrdreg $0x9  }
0xbb: {  	_ =	task.clear_ibuf [dreg:s12], $0xAFFFF;
	_ =	strace $0x90000046  }
0xbc: {  	s29 =	simm.s32 $0x9;
	_ =	strace $0x80000048  }
0xbd: {  	_ =	swait.ge [sflag:s29], $0x1  }
0xbe: {  	[sflag:s29] =	ssyncadd.s32 $0xFFFFFFFF  }
0xbf: {  	_ =	strace $0x90000048  }
0xc0: {  	_ =	sfence  }
0xc1: {  	s30 =	sld [smem:$0x0];
	_ =	sdelay $0x2  }
0xc2: {  	s31 =	sshll.u32 s1, $0xD;
	s1 =	sshrl.u32 s1, $0x2  }
0xc3: {  	s3 =	sand.u32 $0x4000, s31;
	s1 =	sadd.s32 s1, s30  }
0xc4: {  	s0 =	sor.u32 s3, s0;
	s1 =	sshll.u32 s1, $0x11  }
0xc5: {  	s0 =	sor.u32 s1, s0  }
0xc6: {  	s0 =	sadd.s32 $0x8F2B, s0  }
0xc7: {  	[sflag:s0] =	ssyncadd.remote.s32 $0x1  }
0xc8: {  	_ =	sfence.sel $0xFFFF  }
0xc9: {  	[dreg:$0x0] =	wrdreg $0xFFFFFFFF;
	(pc) =	sbr.abs _section_cstart, $3  }
0xca: {  	[dreg:$0x1] =	wrdreg $0xFFFFFFFF  }
0xcb: {  	_ =	task.clear_ibuf [dreg:s12], $0x2FFFF;
	_ =	strace $0x9FFFFFFF  }
0xcc: {  	(tm) =	ssettm $0x7FFFFFFF  }
0xcd: {  	_ =	shalt  }
tec
execute0_lowered:
.L_overlay_start_1:
0x0: {  	(tag) =	ssettag $0x1  }
0x1: {  	s0 =	rddreg [dreg:$0x0]  }
0x2: {  	s1 =	rddreg [dreg:$0x1]  }
0x3: {  	s2 =	rddreg [dreg:$0x2]  }
0x4: {  	s4 =	rddreg [dreg:$0x3]  }
0x5: {  	s3 =	rddreg [dreg:$0x4]  }
0x6: {  	s5 =	rddreg [dreg:$0x5];
	s7 =	srdreg.scid  }
0x7: {  	s14 =	stileid.u32;
	s6 =	rddreg [dreg:$0x6]  }
0x8: {  	s29 =	simm.s32 $0x380;
	s31 =	simm.s32 $0x200;
	s16 =	simm.s32 $0x8  }
0x9: {  	s9 =	sand.u32 $0x1, s7;
	s17 =	sshll.u32 s14, $0x1;
	s13 =	smul.u32 $0x4E000, s14  }
0xa: {  	s7 =	simm.s32 $0x0;
	s23 =	smul.u32 $0x2700, s14;
	s25 =	sadd.s32 $0x138000, s6  }
0xb: {  	p0 =	sne.s32 s14, $0xF;
	s8 =	sor.u32 s9, s17;
	s10 =	ssub.s32 $0x2, s9  }
0xc: {  	[smem:$0x7FF] =	sst s7;
	s9 =	smul.u32 $0x27100, s9;
	s17 =	simm.s32 $0x4  }
0xd: {  	s8 =	smul.u32 $0x2880, s8;
	_ =	strace $0x80000047;
	[dreg:$0xd] =	wrdreg s23  }
0xe: {  	s11 =	sshrl.u32 s10, $0x1;
	s24 =	sadd.s32 s3, s23;
	[dreg:$0x11] =	wrdreg s25  }
0xf: {  	s22 =	sshrl.u32 s13, $0x2;
	s3 =	sadd.s32 $0x27000, s3;
	[dreg:$0x10] =	wrdreg s24  }
0x10: {  	s13 =	simm.s32 $0x8480;
	s10 =	ssub.s32 s10, s11;
	[dreg:$0x12] =	wrdreg s3  }
0x11: {  	s28 =	sadd.s32 s5, s9;
	s24 =	simm.s32 $0x300;
	s3 =	simm.s32 $0x400  }
0x12: {  	s9 =	simm.s32 $0x1;
	s26 =	sadd.s32 $0x100, s8;
	[dreg:$0x14] =	wrdreg s28  }
0x13: {  	s18 =	sshrl.u32 s8, $0x3;
	s30 =	smax.u32 s10, $0x1;
	[dreg:$0x13] =	wrdreg s26  }
0x14: {  	s10 =	simm.s32 $0x7;
	s12 =	sadd.s32 s1, s18;
	[dreg:$0x15] =	wrdreg s30  }
0x15: {  	s19 =	sadd.s32 $0x10, s18;
	s15 =	sadd.s32 s4, s18;
	[dreg:$0x8] =	wrdreg s12  }
0x16: {  	s11 =	sadd.s32 s2, s18;
	s26 =	simm.s32 $0x80;
	[dreg:$0x9] =	wrdreg s15  }
0x17: {  	s18 =	simm.s32 $0x3;
	[dreg:$0xa] =	wrdreg s11;
	s20 =	sadd.s32 s1, s19  }
.Ltmp0:
0x18: {  	s21 =	sadd.s32 s4, s19;
	[dreg:$0xb] =	wrdreg s20;
	(pc) =	sbr.rel .LBB2_1-.Ltmp0, $4  }
0x19: {  	s12 =	sadd.s32 s2, s19;
	s11 =	sadd.s32 s22, s6;
	[dreg:$0xc] =	wrdreg s21  }
0x1a: {  	s15 =	simm.s32 $0x2;
	s19 =	simm.s32 $0x9;
	[dreg:$0xe] =	wrdreg s12  }
0x1b: {  	s22 =	simm.s32 $0x5;
	[dreg:$0xf] =	wrdreg s11;
	s20 =	simm.s32 $0xB  }
0x1c: {  	s11 =	simm.s32 $0x280;
	s12 =	simm.s32 $0xA;
	s21 =	simm.s32 $0x0  }
.LBB2_10:
0x1d: {  	s5 =	simm.s32 $0x6  }
0x1e: {  	_ =	swait.ge [sflag:s5], $0x4000  }
0x1f: {  	[sflag:s5] =	ssyncset.done $0x0  }
0x20: {  	[sflag:s5] =	ssyncadd.s32 $0xFFFFC000  }
0x21: {  	[bflag:$0x0] =	sbarrier.arrive $0xFFFF  }
0x22: {  	s25 =	rddreg [dreg:$0xd]  }
0x23: {  	s14 =	rddreg [dreg:$0x14]  }
0x24: {  	s21 =	rddreg [dreg:$0x17]  }
0x25: {  	s20 =	rddreg [dreg:$0x18];
	s5 =	sadd.s32 s25, s14  }
0x26: {  	[hbm:s5], [sflag:s21] =	dma.local [spmem:s20], $0x2700  }
0x27: {  	s20 =	simm.s32 $0xB  }
0x28: {  	_ =	swait.ge [sflag:s20], $0x2700  }
0x29: {  	[sflag:s20] =	ssyncset.done $0x0  }
0x2a: {  	s5 =	sadd.s32 @!p0 $0x27000, s14;
	s14 =	rddreg [dreg:$0x19];
	[sflag:s20] =	ssyncadd.s32 $0xFFFFD900  }
0x2b: {  	[hbm:s5], [sflag:s21] =	dma.local @!p0 [spmem:s14], $0x100  }
0x2c: {  	s5 =	simm.s32 @!p0 $0xB  }
0x2d: {  	_ =	swait.ge @!p0 [sflag:s5], $0x100  }
0x2e: {  	s28 =	rddreg [dreg:$0x16]  }
0x2f: {  	s30 =	rddreg [dreg:$0x15];
	s21 =	sadd.s32 $0x1, s28  }
0x30: {  	p1 =	sne.s32 s21, s30  }
.Ltmp1:
0x31: {  	_ = 	snop;
	(pc) =	sbr.rel @!p1 .LBB2_11-.Ltmp1, $3  }
0x32: {  	_ =	sdelay $0x1  }
0x33: {  	[sflag:s5] =	ssyncset.done @!p0 $0x0  }
0x34: {  	[sflag:s5] =	ssyncadd.s32 @!p0 $0xFFFFFF00  }
.LBB2_1:
0x35: {  	[dreg:$0x16] =	wrdreg s21  }
0x36: {  	s5 =	rddreg [dreg:$0x8]  }
0x37: {  	[tilespmem:s7], [sflag:$0xB] =	stream.linear.gather [hbm4b:s5+s7], $0x80, $0x38;
	[tilespmem:$0x1FD00] =	vst v63  }
0x38: {  	_ =	swait.ge [sflag:s20], $0x80  }
0x39: {  	[sflag:s20] =	ssyncset.done $0x0  }
0x3a: {  	s21 =	rddreg [dreg:$0x9];
	[sflag:s20] =	ssyncadd.s32 $0xFFFFFF80  }
0x3b: {  	[tilespmem:s24], [sflag:$0xB] =	stream.linear.gather [hbm4b:s21+s7], $0x80, $0x38;
	[tilespmem:$0x1FD00] =	vst v63  }
0x3c: {  	_ =	swait.ge [sflag:s20], $0x80  }
0x3d: {  	[sflag:s20] =	ssyncset.done $0x0  }
0x3e: {  	s14 =	simm.s32 $0x180;
	s23 =	rddreg [dreg:$0xa];
	[sflag:s20] =	ssyncadd.s32 $0xFFFFFF80  }
0x3f: {  	[tilespmem:s14], [sflag:$0x7] =	stream.linear.gather [hbm4b:s23+s7], $0x80, $0x38;
	[tilespmem:$0x1FD00] =	vst v63  }
0x40: {  	s25 =	simm.s32 $0x480  }
0x41: {  	[tilespmem:s25], [sflag:$0x1] =	stream.indirect.gather [hbm4b:s0+s26], $0x80, s7, s26, $0xb8;
	[tilespmem:$0x1FD00] =	vst v63  }
0x42: {  	s28 =	rddreg [dreg:$0xb]  }
0x43: {  	[tilespmem:s26], [sflag:$0xB] =	stream.linear.gather [hbm4b:s28+s7], $0x80, $0x38;
	[tilespmem:$0x1FD00] =	vst v63  }
0x44: {  	_ =	swait.ge [sflag:s20], $0x80  }
0x45: {  	[sflag:s20] =	ssyncset.done $0x0  }
0x46: {  	s30 =	rddreg [dreg:$0xc];
	[sflag:s20] =	ssyncadd.s32 $0xFFFFFF80  }
0x47: {  	[tilespmem:s29], [sflag:$0xB] =	stream.linear.gather [hbm4b:s30+s7], $0x80, $0x38;
	[tilespmem:$0x1FD00] =	vst v63  }
0x48: {  	_ =	swait.ge [sflag:s20], $0x80  }
0x49: {  	[sflag:s20] =	ssyncset.done $0x0;
	s14 =	rddreg [dreg:$0xe]  }
0x4a: {  	s23 =	stileid.u32;
	s28 =	rddreg [dreg:$0xf];
	[sflag:s20] =	ssyncadd.s32 $0xFFFFFF80  }
0x4b: {  	[tilespmem:s31], [sflag:$0x8] =	stream.linear.gather [hbm4b:s14+s7], $0x80, $0x38;
	[tilespmem:$0x1FD00] =	vst v63  }
0x4c: {  	s25 =	sshll.u32 s23, $0x6;
	s30 =	sshrl.u32 s28, $0x3;
	s31 =	rddreg [dreg:$0x10]  }
0x4d: {  	s21 =	simm.s32 $0x4480;
	s14 =	sor.u32 $0x1C0B, s25;
	[dreg:$0x18] =	wrdreg s30  }
0x4e: {  	[tilespmem:s21], [sflag:$0x2] =	stream.indirect.gather [hbm4b:s0+s26], $0x80, s26, s26, $0xb8;
	[tilespmem:$0x1FD00] =	vst v63  }
0x4f: {  	[spmem:s30], [sflag:s14] =	dma.local [hbm:s31], $0x2700  }
0x50: {  	_ =	swait.ge [sflag:s20], $0x2700;
	[dreg:$0x17] =	wrdreg s14  }
0x51: {  	[sflag:s20] =	ssyncset.done $0x0;
	s5 =	rddreg [dreg:$0x11]  }
0x52: {  	[sflag:s20] =	ssyncadd.s32 $0xFFFFD900;
	s20 =	sshrl.u32 @!p0 s5, $0x3;
	s5 =	rddreg [dreg:$0x12]  }
0x53: {  	[dreg:$0x19] =	wrdreg s20  }
0x54: {  	[spmem:s20], [sflag:s14] =	dma.local @!p0 [hbm:s5], $0x100  }
0x55: {  	s14 =	simm.s32 @!p0 $0xB  }
0x56: {  	_ =	swait.ge @!p0 [sflag:s14], $0x100  }
0x57: {  	[sflag:s14] =	ssyncset.done @!p0 $0x0  }
0x58: {  	[sflag:s14] =	ssyncadd.s32 @!p0 $0xFFFFFF00  }
0x59: {  	s21 =	simm.s32 $0x0;
	[bflag:$0x0] =	sbarrier.arrive $0xFFFF  }
.LBB2_2:
0x5a: {  	s14 =	smul.u32 $0x180, s21  }
0x5b: {  	s5 =	rddreg [dreg:$0x13]  }
0x5c: {  	s20 =	sadd.s32 s14, s5  }
0x5d: {  	s28 =	simm.s32 $0x0;
	s23 =	sshrl.u32 s20, $0x3  }
0x5e: {  	s25 =	simm.s32 $0x100;
	v0 =	vmov s28;
	s20 =	sadd.s32 s1, s23  }
0x5f: {  	v0 =	vand.u32 $0xFFFFFFFC, v0;
	[tilespmem:s25], [sflag:$0xA] =	stream.linear.gather [hbm4b:s20+s28], $0x80, $0x38;
	[tilespmem:$0x1FD00] =	vst v63  }
0x60: {  	v0 =	vbroadcast v0, $0x0;
	s31 =	sadd.s32 s4, s23  }
0x61: {  	[tilespmem:s3], [sflag:$0xA] =	stream.linear.gather [hbm4b:s31+s28], $0x80, $0x38;
	[tilespmem:$0x1FD00] =	vst v63  }
0x62: {  	_ =	swait.ge [sflag:s9], $0x4000  }
0x63: {  	[sflag:s9] =	ssyncset.done $0x0  }
0x64: {  	s25 =	simm.s32 $0x580;
	[sflag:s9] =	ssyncadd.s32 $0xFFFFC000  }
0x65: {  	v1 =	vld [tilespmem:s25+$0xFFFFFF70]  }
0x66: {  	v0 =	vld.idx.msk [tilespmem:v0+s24+$0x0], $0xffff  }
0x67: {  	v2 =	vld [tilespmem:s25+$0xFFFFFF00]  }
0x68: {  	v3 =	vld [tilespmem:s25+$0xFFFFFF20]  }
0x69: {  	v4 =	vld [tilespmem:s25+$0xFFFFFF50]  }
0x6a: {  	v5 =	vld [tilespmem:s25+$0xFFFFFF40]  }
0x6b: {  	v6 =	vld [tilespmem:s25+$0xFFFFFF60];
	v1 =	vmul.f32 v1, v0  }
0x6c: {  	s5 =	simm.s32 $0x1;
	v7 =	vld [tilespmem:s25+$0xFFFFFF30];
	v2 =	vmul.f32 v2, v0  }
0x6d: {  	v8 =	vld [tilespmem:s25+$0xFFFFFF10];
	v3 =	vmul.f32 v3, v0;
	[tilespmem:s25+$0xFFFFFF70] =	vst v1;
	v1 =	vmov s5  }
0x6e: {  	v4 =	vmul.f32 v4, v0;
	[tilespmem:s25+$0xFFFFFF00] =	vst v2;
	v1 =	vand.u32 $0xFFFFFFFD, v1  }
0x6f: {  	v2 =	vmul.f32 v5, v0;
	[tilespmem:s25+$0xFFFFFF20] =	vst v3;
	v1 =	vbroadcast v1, $0x0  }
0x70: {  	v3 =	vmul.f32 v6, v0;
	[tilespmem:s25+$0xFFFFFF50] =	vst v4  }
0x71: {  	v4 =	vmul.f32 v7, v0;
	[tilespmem:s25+$0xFFFFFF40] =	vst v2  }
0x72: {  	v0 =	vmul.f32 v8, v0;
	[tilespmem:s25+$0xFFFFFF60] =	vst v3  }
0x73: {  	[tilespmem:s25+$0xFFFFFF30] =	vst v4  }
0x74: {  	[tilespmem:s25+$0xFFFFFF10] =	vst v0;
	v0 =	vld [tilespmem:s25+$0xFFFFFF90]  }
0x75: {  	v2 =	vld.idx.msk [tilespmem:v1+s24+$0x0], $0xffff  }
0x76: {  	v1 =	vld [tilespmem:s25+$0xFFFFFFA0]  }
0x77: {  	v3 =	vld [tilespmem:s25+$0xFFFFFF80]  }
0x78: {  	v4 =	vld [tilespmem:s25+$0xFFFFFFB0]  }
0x79: {  	v5 =	vld [tilespmem:s25+$0xFFFFFFC0]  }
0x7a: {  	v6 =	vld [tilespmem:s25+$0xFFFFFFD0];
	v0 =	vmul.f32 v0, v2  }
0x7b: {  	s31 =	simm.s32 $0x2;
	v7 =	vld [tilespmem:s25+$0xFFFFFFF0];
	v1 =	vmul.f32 v1, v2  }
0x7c: {  	v8 =	vld [tilespmem:s25+$0xFFFFFFE0];
	v3 =	vmul.f32 v3, v2;
	[tilespmem:s25+$0xFFFFFF90] =	vst v0;
	v0 =	vmov s31  }
0x7d: {  	v4 =	vmul.f32 v4, v2;
	[tilespmem:s25+$0xFFFFFFA0] =	vst v1;
	v0 =	vand.u32 $0xFFFFFFFE, v0  }
0x7e: {  	v1 =	vmul.f32 v5, v2;
	[tilespmem:s25+$0xFFFFFF80] =	vst v3;
	v5 =	vld [tilespmem:s25+$0x60];
	v9 =	vbroadcast v0, $0x0  }
0x7f: {  	v3 =	vmul.f32 v6, v2;
	[tilespmem:s25+$0xFFFFFFB0] =	vst v4;
	v6 =	vld [tilespmem:s25+$0x0]  }
0x80: {  	v4 =	vmul.f32 v7, v2;
	v0 =	vld [tilespmem:s25+$0x20];
	[tilespmem:s25+$0xFFFFFFC0] =	vst v1  }
0x81: {  	v2 =	vmul.f32 v8, v2;
	v1 =	vld [tilespmem:s25+$0x30];
	[tilespmem:s25+$0xFFFFFFD0] =	vst v3  }
0x82: {  	[tilespmem:s25+$0xFFFFFFF0] =	vst v4;
	v3 =	vld [tilespmem:s25+$0x40]  }
0x83: {  	[tilespmem:s25+$0xFFFFFFE0] =	vst v2;
	v4 =	vld [tilespmem:s25+$0x10]  }
0x84: {  	s30 =	simm.s32 $0x580;
	s20 =	simm.s32 $0x4;
	v2 =	vld.idx.msk [tilespmem:v9+s24+$0x0], $0xffff  }
.LBB2_3:
0x85: {  	p1 =	sne.s32 s20, $0x7C  }
0x86: {  	v7 =	vld [tilespmem:s25+$0x50];
	s30 =	sadd.s32 $0x200, s30;
	s31 =	smov.u32 s20;
	s20 =	sadd.s32 $0x4, s20  }
0x87: {  	v8 =	vld [tilespmem:s25+$0x70];
	_ =	sdelay $0x1  }
0x88: {  	v5 =	vmul.f32 v5, v2;
	v6 =	vmul.f32 v6, v2  }
0x89: {  	v3 =	vmul.f32 v3, v2;
	v4 =	vmul.f32 v4, v2  }
0x8a: {  	v0 =	vmul.f32 v0, v2;
	v1 =	vmul.f32 v1, v2;
	[tilespmem:s25+$0x60] =	vst v5  }
0x8b: {  	[tilespmem:s25+$0x40] =	vst v3;
	v3 =	vmul.f32 v7, v2;
	v2 =	vmul.f32 v8, v2  }
0x8c: {  	s5 =	sadd.s32 $0x3, s28;
	s28 =	smov.u32 s31;
	[tilespmem:s25+$0x20] =	vst v0;
	v5 =	vld [tilespmem:s25+$0x80]  }
0x8d: {  	v0 =	vld [tilespmem:s30+$0x20];
	[tilespmem:s25+$0x0] =	vst v6;
	v6 =	vmov s5  }
0x8e: {  	[tilespmem:s25+$0x50] =	vst v3;
	v3 =	vld [tilespmem:s25+$0xE0]  }
0x8f: {  	[tilespmem:s25+$0x30] =	vst v1;
	v7 =	vld [tilespmem:s25+$0xC0]  }
0x90: {  	v1 =	vld [tilespmem:s30+$0x30];
	[tilespmem:s25+$0x10] =	vst v4  }
0x91: {  	[tilespmem:s25+$0x70] =	vst v2;
	v2 =	vld [tilespmem:s25+$0xA0]  }
0x92: {  	v4 =	vld.idx.msk [tilespmem:v6+s24+$0x0], $0xffff  }
0x93: {  	v6 =	vld [tilespmem:s25+$0x90]  }
0x94: {  	v8 =	vld [tilespmem:s25+$0xB0]  }
0x95: {  	v9 =	vld [tilespmem:s25+$0xD0]  }
0x96: {  	v10 =	vld [tilespmem:s25+$0xF0];
	_ =	sdelay $0x1  }
0x97: {  	v5 =	vmul.f32 v5, v4;
	v6 =	vmul.f32 v6, v4  }
0x98: {  	v2 =	vmul.f32 v2, v4;
	v8 =	vmul.f32 v8, v4  }
0x99: {  	v11 =	vmov s28;
	[tilespmem:s25+$0x80] =	vst v5;
	v5 =	vmul.f32 v7, v4;
	v7 =	vmul.f32 v9, v4  }
0x9a: {  	v9 =	vand.u32 $0xFFFFFFFC, v11;
	[tilespmem:s25+$0xA0] =	vst v2;
	v2 =	vmul.f32 v3, v4;
	v3 =	vmul.f32 v10, v4  }
0x9b: {  	v4 =	vbroadcast v9, $0x0;
	[tilespmem:s25+$0xC0] =	vst v5  }
0x9c: {  	[tilespmem:s25+$0xF0] =	vst v3  }
0x9d: {  	v3 =	vld [tilespmem:s30+$0xFFFFFF40];
	[tilespmem:s25+$0xE0] =	vst v2  }
0x9e: {  	v2 =	vld [tilespmem:s30+$0xFFFFFF50];
	[tilespmem:s25+$0x90] =	vst v6  }
0x9f: {  	v5 =	vld [tilespmem:s30+$0xFFFFFF60];
	[tilespmem:s25+$0xB0] =	vst v8  }
0xa0: {  	v6 =	vld [tilespmem:s30+$0xFFFFFF70];
	[tilespmem:s25+$0xD0] =	vst v7;
	s25 =	smov.u32 s30  }
0xa1: {  	v4 =	vld.idx.msk [tilespmem:v4+s24+$0x0], $0xffff  }
0xa2: {  	v7 =	vld [tilespmem:s30+$0xFFFFFF00]  }
0xa3: {  	v8 =	vld [tilespmem:s30+$0xFFFFFF20]  }
0xa4: {  	v9 =	vld [tilespmem:s30+$0xFFFFFF10]  }
0xa5: {  	v10 =	vld [tilespmem:s30+$0xFFFFFF30];
	_ =	sdelay $0x1  }
0xa6: {  	v6 =	vmul.f32 v6, v4;
	v7 =	vmul.f32 v7, v4  }
0xa7: {  	s5 =	sadd.s32 $0x1, s28;
	v5 =	vmul.f32 v5, v4;
	v8 =	vmul.f32 v8, v4  }
0xa8: {  	v2 =	vmul.f32 v2, v4;
	v9 =	vmul.f32 v9, v4;
	[tilespmem:s30+$0xFFFFFF70] =	vst v6;
	v6 =	vmov s5  }
0xa9: {  	v3 =	vmul.f32 v3, v4;
	[tilespmem:s30+$0xFFFFFF00] =	vst v7;
	v7 =	vmul.f32 v10, v4;
	v4 =	vand.u32 $0xFFFFFFFD, v6  }
0xaa: {  	[tilespmem:s30+$0xFFFFFF20] =	vst v8;
	v4 =	vbroadcast v4, $0x0  }
0xab: {  	[tilespmem:s30+$0xFFFFFF50] =	vst v2  }
0xac: {  	[tilespmem:s30+$0xFFFFFF40] =	vst v3;
	v2 =	vld [tilespmem:s30+$0xFFFFFFF0]  }
0xad: {  	[tilespmem:s30+$0xFFFFFF60] =	vst v5;
	v3 =	vld [tilespmem:s30+$0xFFFFFFC0]  }
0xae: {  	[tilespmem:s30+$0xFFFFFF30] =	vst v7;
	v5 =	vld [tilespmem:s30+$0xFFFFFFD0]  }
0xaf: {  	[tilespmem:s30+$0xFFFFFF10] =	vst v9;
	v6 =	vld [tilespmem:s30+$0xFFFFFF90]  }
0xb0: {  	v4 =	vld.idx.msk [tilespmem:v4+s24+$0x0], $0xffff  }
0xb1: {  	v7 =	vld [tilespmem:s30+$0xFFFFFF80]  }
0xb2: {  	v8 =	vld [tilespmem:s30+$0xFFFFFFA0]  }
0xb3: {  	v9 =	vld [tilespmem:s30+$0xFFFFFFB0]  }
0xb4: {  	v10 =	vld [tilespmem:s30+$0xFFFFFFE0];
	_ =	sdelay $0x1  }
0xb5: {  	v6 =	vmul.f32 v6, v4;
	v7 =	vmul.f32 v7, v4  }
0xb6: {  	s5 =	sadd.s32 $0x2, s28;
	v5 =	vmul.f32 v5, v4;
	v8 =	vmul.f32 v8, v4  }
0xb7: {  	v3 =	vmul.f32 v3, v4;
	[tilespmem:s30+$0xFFFFFF90] =	vst v6;
	v6 =	vmul.f32 v9, v4;
	v9 =	vmov s5  }
0xb8: {  	v2 =	vmul.f32 v2, v4;
	[tilespmem:s30+$0xFFFFFFA0] =	vst v8;
	v8 =	vmul.f32 v10, v4;
	v4 =	vand.u32 $0xFFFFFFFE, v9  }
0xb9: {  	[tilespmem:s30+$0xFFFFFF80] =	vst v7;
	v4 =	vbroadcast v4, $0x0  }
0xba: {  	[tilespmem:s30+$0xFFFFFFB0] =	vst v6  }
0xbb: {  	[tilespmem:s30+$0xFFFFFFC0] =	vst v3  }
0xbc: {  	[tilespmem:s30+$0xFFFFFFD0] =	vst v5  }
.Ltmp2:
0xbd: {  	[tilespmem:s30+$0xFFFFFFF0] =	vst v2;
	v3 =	vld [tilespmem:s30+$0x40];
	(pc) =	sbr.rel @p1 .LBB2_3-.Ltmp2, $4  }
0xbe: {  	[tilespmem:s30+$0xFFFFFFE0] =	vst v8;
	v5 =	vld [tilespmem:s30+$0x60]  }
0xbf: {  	v2 =	vld.idx.msk [tilespmem:v4+s24+$0x0], $0xffff  }
0xc0: {  	v6 =	vld [tilespmem:s30+$0x0]  }
0xc1: {  	v4 =	vld [tilespmem:s30+$0x10]  }
0xc2: {  	_ =	sdelay $0x1  }
0xc3: {  	v5 =	vmul.f32 v5, v2  }
0xc4: {  	v7 =	vld [tilespmem:s25+$0x50];
	v3 =	vmul.f32 v3, v2  }
0xc5: {  	v8 =	vld [tilespmem:s25+$0x70];
	v0 =	vmul.f32 v0, v2;
	[tilespmem:s25+$0x60] =	vst v5  }
0xc6: {  	v5 =	vmul.f32 v6, v2;
	[tilespmem:s25+$0x40] =	vst v3  }
0xc7: {  	s5 =	sadd.s32 $0x3, s28;
	[tilespmem:s25+$0x20] =	vst v0;
	v0 =	vmul.f32 v1, v2  }
0xc8: {  	v4 =	vmul.f32 v4, v2;
	[tilespmem:s25+$0x0] =	vst v5;
	v5 =	vmov s5  }
0xc9: {  	v3 =	vmul.f32 v7, v2;
	[tilespmem:s25+$0x30] =	vst v0  }
0xca: {  	v2 =	vmul.f32 v8, v2;
	[tilespmem:s25+$0x10] =	vst v4  }
0xcb: {  	[tilespmem:s25+$0x50] =	vst v3  }
0xcc: {  	v1 =	vld [tilespmem:s25+$0x80];
	[tilespmem:s25+$0x70] =	vst v2  }
0xcd: {  	v0 =	vld.idx.msk [tilespmem:v5+s24+$0x0], $0xffff  }
0xce: {  	v2 =	vld [tilespmem:s25+$0xA0]  }
0xcf: {  	v3 =	vld [tilespmem:s25+$0xC0]  }
0xd0: {  	v4 =	vld [tilespmem:s25+$0xF0]  }
0xd1: {  	v5 =	vld [tilespmem:s25+$0xE0]  }
0xd2: {  	v6 =	vld [tilespmem:s25+$0x90];
	v1 =	vmul.f32 v1, v0  }
0xd3: {  	v7 =	vld [tilespmem:s25+$0xB0];
	v2 =	vmul.f32 v2, v0  }
0xd4: {  	v8 =	vld [tilespmem:s25+$0xD0];
	[tilespmem:s25+$0x80] =	vst v1;
	v1 =	vmul.f32 v3, v0  }
0xd5: {  	[tilespmem:s25+$0xA0] =	vst v2;
	v2 =	vmul.f32 v4, v0  }
0xd6: {  	v3 =	vmul.f32 v5, v0;
	[tilespmem:s25+$0xC0] =	vst v1  }
0xd7: {  	v1 =	vmul.f32 v6, v0;
	[tilespmem:s25+$0xF0] =	vst v2  }
0xd8: {  	v2 =	vmul.f32 v7, v0;
	[tilespmem:s25+$0xE0] =	vst v3  }
0xd9: {  	v0 =	vmul.f32 v8, v0;
	[tilespmem:s25+$0x90] =	vst v1  }
0xda: {  	[tilespmem:s25+$0xB0] =	vst v2  }
0xdb: {  	[tilespmem:s25+$0xD0] =	vst v0  }
0xdc: {  	_ =	swait.ge [sflag:s10], $0x80  }
0xdd: {  	s31 =	simm.s32 $0x180;
	p1 =	seq.s32 s21, $0x0;
	[sflag:s10] =	ssyncset.done $0x0  }
0xde: {  	s20 =	simm.s32 $0x480;
	s5 =	simm.s32 @!p1 $0x6;
	[sflag:s10] =	ssyncadd.s32 $0xFFFFFF80  }
0xdf: {  	[spmem:s6] =	stream.indirect.scatter.add.f32 [tilespmem:s20], [sflag:$0x4], $0x80, s31, s26, $0xb8;
	[tilespmem:$0x1FD00] =	vst v63  }
0xe0: {  	_ =	swait.ge @!p1 [sflag:s5], $0x4000  }
0xe1: {  	[sflag:s5] =	ssyncset.done @!p1 $0x0  }
0xe2: {  	s23 =	sadd.s32 s2, s23;
	[sflag:s5] =	ssyncadd.s32 @!p1 $0xFFFFC000  }
0xe3: {  	[tilespmem:s11], [sflag:$0x9] =	stream.linear.gather [hbm4b:s23+s7], $0x80, $0x38;
	[tilespmem:$0x1FD00] =	vst v63  }
0xe4: {  	s25 =	smul.u32 $0x3, s21;
	_ =	swait.ge [sflag:s12], $0x80  }
0xe5: {  	[sflag:s12] =	ssyncset.done $0x0  }
0xe6: {  	s5 =	sadd.s32 $0x3, s25;
	p1 =	seq.s32 s21, $0x1A;
	[sflag:s12] =	ssyncadd.s32 $0xFFFFFF80  }
0xe7: {  	s5 =	sshll.u32 @!p1 s5, $0x7;
	_ =	swait.ge [sflag:s12], $0x80  }
0xe8: {  	s28 =	simm.s32 $0x0;
	s5 =	sadd.s32 @!p1 s8, s5;
	[sflag:s12] =	ssyncset.done $0x0  }
0xe9: {  	s31 =	simm.s32 $0x100;
	s23 =	sshrl.u32 @!p1 s5, $0x3;
	[sflag:s12] =	ssyncadd.s32 $0xFFFFFF80  }
0xea: {  	[tilespmem:s13], [sflag:$0x3] =	stream.indirect.gather [hbm4b:s0+s26], $0x80, s31, s26, $0xb8;
	[tilespmem:$0x1FD00] =	vst v63  }
0xeb: {  	v0 =	vmov s28;
	s20 =	simm.s32 @!p1 $0x0;
	s5 =	sadd.s32 @!p1 s1, s23  }
0xec: {  	v0 =	vand.u32 $0xFFFFFFFC, v0;
	[tilespmem:s20], [sflag:$0xA] =	stream.linear.gather @!p1 [hbm4b:s5+s20], $0x80, $0x38;
	[tilespmem:$0x1FD00] =	vst v63  }
0xed: {  	v0 =	vbroadcast v0, $0x0;
	s25 =	simm.s32 @!p1 $0x300;
	s5 =	sadd.s32 @!p1 s4, s23  }
0xee: {  	[tilespmem:s25], [sflag:$0xA] =	stream.linear.gather @!p1 [hbm4b:s5+s20], $0x80, $0x38;
	[tilespmem:$0x1FD00] =	vst v63  }
0xef: {  	_ =	swait.ge [sflag:s15], $0x4000  }
0xf0: {  	[sflag:s15] =	ssyncset.done $0x0  }
0xf1: {  	s25 =	simm.s32 $0x4580;
	[sflag:s15] =	ssyncadd.s32 $0xFFFFC000  }
0xf2: {  	v1 =	vld [tilespmem:s25+$0xFFFFFF70]  }
0xf3: {  	v0 =	vld.idx.msk [tilespmem:v0+s29+$0x0], $0xffff  }
0xf4: {  	v2 =	vld [tilespmem:s25+$0xFFFFFF00]  }
0xf5: {  	v3 =	vld [tilespmem:s25+$0xFFFFFF20]  }
0xf6: {  	v4 =	vld [tilespmem:s25+$0xFFFFFF50]  }
0xf7: {  	v5 =	vld [tilespmem:s25+$0xFFFFFF40]  }
0xf8: {  	v6 =	vld [tilespmem:s25+$0xFFFFFF60];
	v1 =	vmul.f32 v1, v0  }
0xf9: {  	s20 =	simm.s32 $0x1;
	v7 =	vld [tilespmem:s25+$0xFFFFFF30];
	v2 =	vmul.f32 v2, v0  }
0xfa: {  	v8 =	vld [tilespmem:s25+$0xFFFFFF10];
	v3 =	vmul.f32 v3, v0;
	[tilespmem:s25+$0xFFFFFF70] =	vst v1;
	v1 =	vmov s20  }
0xfb: {  	v4 =	vmul.f32 v4, v0;
	[tilespmem:s25+$0xFFFFFF00] =	vst v2;
	v1 =	vand.u32 $0xFFFFFFFD, v1  }
0xfc: {  	v2 =	vmul.f32 v5, v0;
	[tilespmem:s25+$0xFFFFFF20] =	vst v3;
	v1 =	vbroadcast v1, $0x0  }
0xfd: {  	v3 =	vmul.f32 v6, v0;
	[tilespmem:s25+$0xFFFFFF50] =	vst v4  }
0xfe: {  	v4 =	vmul.f32 v7, v0;
	[tilespmem:s25+$0xFFFFFF40] =	vst v2  }
0xff: {  	v0 =	vmul.f32 v8, v0;
	[tilespmem:s25+$0xFFFFFF60] =	vst v3  }
0x100: {  	[tilespmem:s25+$0xFFFFFF30] =	vst v4  }
0x101: {  	[tilespmem:s25+$0xFFFFFF10] =	vst v0;
	v0 =	vld [tilespmem:s25+$0xFFFFFF90]  }
0x102: {  	v2 =	vld.idx.msk [tilespmem:v1+s29+$0x0], $0xffff  }
0x103: {  	v1 =	vld [tilespmem:s25+$0xFFFFFFA0]  }
0x104: {  	v3 =	vld [tilespmem:s25+$0xFFFFFF80]  }
0x105: {  	v4 =	vld [tilespmem:s25+$0xFFFFFFB0]  }
0x106: {  	v5 =	vld [tilespmem:s25+$0xFFFFFFC0]  }
0x107: {  	v6 =	vld [tilespmem:s25+$0xFFFFFFD0];
	v0 =	vmul.f32 v0, v2  }
0x108: {  	s31 =	simm.s32 $0x2;
	v7 =	vld [tilespmem:s25+$0xFFFFFFF0];
	v1 =	vmul.f32 v1, v2  }
0x109: {  	v8 =	vld [tilespmem:s25+$0xFFFFFFE0];
	v3 =	vmul.f32 v3, v2;
	[tilespmem:s25+$0xFFFFFF90] =	vst v0;
	v0 =	vmov s31  }
0x10a: {  	v4 =	vmul.f32 v4, v2;
	[tilespmem:s25+$0xFFFFFFA0] =	vst v1;
	v0 =	vand.u32 $0xFFFFFFFE, v0  }
0x10b: {  	v1 =	vmul.f32 v5, v2;
	[tilespmem:s25+$0xFFFFFF80] =	vst v3;
	v5 =	vld [tilespmem:s25+$0x60];
	v9 =	vbroadcast v0, $0x0  }
0x10c: {  	v3 =	vmul.f32 v6, v2;
	[tilespmem:s25+$0xFFFFFFB0] =	vst v4;
	v6 =	vld [tilespmem:s25+$0x0]  }
0x10d: {  	v4 =	vmul.f32 v7, v2;
	v0 =	vld [tilespmem:s25+$0x20];
	[tilespmem:s25+$0xFFFFFFC0] =	vst v1  }
0x10e: {  	v2 =	vmul.f32 v8, v2;
	v1 =	vld [tilespmem:s25+$0x30];
	[tilespmem:s25+$0xFFFFFFD0] =	vst v3  }
0x10f: {  	[tilespmem:s25+$0xFFFFFFF0] =	vst v4;
	v3 =	vld [tilespmem:s25+$0x40]  }
0x110: {  	[tilespmem:s25+$0xFFFFFFE0] =	vst v2;
	v4 =	vld [tilespmem:s25+$0x10]  }
0x111: {  	s30 =	simm.s32 $0x4580;
	s20 =	simm.s32 $0x4;
	v2 =	vld.idx.msk [tilespmem:v9+s29+$0x0], $0xffff  }
.LBB2_5:
0x112: {  	p2 =	sne.s32 s20, $0x7C  }
0x113: {  	v7 =	vld [tilespmem:s25+$0x50];
	s30 =	sadd.s32 $0x200, s30;
	s5 =	smov.u32 s20;
	s20 =	sadd.s32 $0x4, s20  }
0x114: {  	v8 =	vld [tilespmem:s25+$0x70];
	_ =	sdelay $0x1  }
0x115: {  	v5 =	vmul.f32 v5, v2;
	v6 =	vmul.f32 v6, v2  }
0x116: {  	v3 =	vmul.f32 v3, v2;
	v4 =	vmul.f32 v4, v2  }
0x117: {  	v0 =	vmul.f32 v0, v2;
	v1 =	vmul.f32 v1, v2;
	[tilespmem:s25+$0x60] =	vst v5  }
0x118: {  	[tilespmem:s25+$0x40] =	vst v3;
	v3 =	vmul.f32 v7, v2;
	v2 =	vmul.f32 v8, v2  }
0x119: {  	s31 =	sadd.s32 $0x3, s28;
	s28 =	smov.u32 s5;
	[tilespmem:s25+$0x20] =	vst v0;
	v5 =	vld [tilespmem:s25+$0x80]  }
0x11a: {  	v0 =	vld [tilespmem:s30+$0x20];
	[tilespmem:s25+$0x0] =	vst v6;
	v6 =	vmov s31  }
0x11b: {  	[tilespmem:s25+$0x50] =	vst v3;
	v3 =	vld [tilespmem:s25+$0xE0]  }
0x11c: {  	[tilespmem:s25+$0x30] =	vst v1;
	v7 =	vld [tilespmem:s25+$0xC0]  }
0x11d: {  	v1 =	vld [tilespmem:s30+$0x30];
	[tilespmem:s25+$0x10] =	vst v4  }
0x11e: {  	[tilespmem:s25+$0x70] =	vst v2;
	v2 =	vld [tilespmem:s25+$0xA0]  }
0x11f: {  	v4 =	vld.idx.msk [tilespmem:v6+s29+$0x0], $0xffff  }
0x120: {  	v6 =	vld [tilespmem:s25+$0x90]  }
0x121: {  	v8 =	vld [tilespmem:s25+$0xB0]  }
0x122: {  	v9 =	vld [tilespmem:s25+$0xD0]  }
0x123: {  	v10 =	vld [tilespmem:s25+$0xF0];
	_ =	sdelay $0x1  }
0x124: {  	v5 =	vmul.f32 v5, v4;
	v6 =	vmul.f32 v6, v4  }
0x125: {  	v2 =	vmul.f32 v2, v4;
	v8 =	vmul.f32 v8, v4  }
0x126: {  	v11 =	vmov s28;
	[tilespmem:s25+$0x80] =	vst v5;
	v5 =	vmul.f32 v7, v4;
	v7 =	vmul.f32 v9, v4  }
0x127: {  	v9 =	vand.u32 $0xFFFFFFFC, v11;
	[tilespmem:s25+$0xA0] =	vst v2;
	v2 =	vmul.f32 v3, v4;
	v3 =	vmul.f32 v10, v4  }
0x128: {  	v4 =	vbroadcast v9, $0x0;
	[tilespmem:s25+$0xC0] =	vst v5  }
0x129: {  	[tilespmem:s25+$0xF0] =	vst v3  }
0x12a: {  	v3 =	vld [tilespmem:s30+$0xFFFFFF40];
	[tilespmem:s25+$0xE0] =	vst v2  }
0x12b: {  	v2 =	vld [tilespmem:s30+$0xFFFFFF50];
	[tilespmem:s25+$0x90] =	vst v6  }
0x12c: {  	v5 =	vld [tilespmem:s30+$0xFFFFFF60];
	[tilespmem:s25+$0xB0] =	vst v8  }
0x12d: {  	v6 =	vld [tilespmem:s30+$0xFFFFFF70];
	[tilespmem:s25+$0xD0] =	vst v7;
	s25 =	smov.u32 s30  }
0x12e: {  	v4 =	vld.idx.msk [tilespmem:v4+s29+$0x0], $0xffff  }
0x12f: {  	v7 =	vld [tilespmem:s30+$0xFFFFFF00]  }
0x130: {  	v8 =	vld [tilespmem:s30+$0xFFFFFF20]  }
0x131: {  	v9 =	vld [tilespmem:s30+$0xFFFFFF10]  }
0x132: {  	v10 =	vld [tilespmem:s30+$0xFFFFFF30];
	_ =	sdelay $0x1  }
0x133: {  	v6 =	vmul.f32 v6, v4;
	v7 =	vmul.f32 v7, v4  }
0x134: {  	s5 =	sadd.s32 $0x1, s28;
	v5 =	vmul.f32 v5, v4;
	v8 =	vmul.f32 v8, v4  }
0x135: {  	v2 =	vmul.f32 v2, v4;
	v9 =	vmul.f32 v9, v4;
	[tilespmem:s30+$0xFFFFFF70] =	vst v6;
	v6 =	vmov s5  }
0x136: {  	v3 =	vmul.f32 v3, v4;
	[tilespmem:s30+$0xFFFFFF00] =	vst v7;
	v7 =	vmul.f32 v10, v4;
	v4 =	vand.u32 $0xFFFFFFFD, v6  }
0x137: {  	[tilespmem:s30+$0xFFFFFF20] =	vst v8;
	v4 =	vbroadcast v4, $0x0  }
0x138: {  	[tilespmem:s30+$0xFFFFFF50] =	vst v2  }
0x139: {  	[tilespmem:s30+$0xFFFFFF40] =	vst v3;
	v2 =	vld [tilespmem:s30+$0xFFFFFFF0]  }
0x13a: {  	[tilespmem:s30+$0xFFFFFF60] =	vst v5;
	v3 =	vld [tilespmem:s30+$0xFFFFFFC0]  }
0x13b: {  	[tilespmem:s30+$0xFFFFFF30] =	vst v7;
	v5 =	vld [tilespmem:s30+$0xFFFFFFD0]  }
0x13c: {  	[tilespmem:s30+$0xFFFFFF10] =	vst v9;
	v6 =	vld [tilespmem:s30+$0xFFFFFF90]  }
0x13d: {  	v4 =	vld.idx.msk [tilespmem:v4+s29+$0x0], $0xffff  }
0x13e: {  	v7 =	vld [tilespmem:s30+$0xFFFFFF80]  }
0x13f: {  	v8 =	vld [tilespmem:s30+$0xFFFFFFA0]  }
0x140: {  	v9 =	vld [tilespmem:s30+$0xFFFFFFB0]  }
0x141: {  	v10 =	vld [tilespmem:s30+$0xFFFFFFE0];
	_ =	sdelay $0x1  }
0x142: {  	v6 =	vmul.f32 v6, v4;
	v7 =	vmul.f32 v7, v4  }
0x143: {  	s5 =	sadd.s32 $0x2, s28;
	v5 =	vmul.f32 v5, v4;
	v8 =	vmul.f32 v8, v4  }
0x144: {  	v3 =	vmul.f32 v3, v4;
	[tilespmem:s30+$0xFFFFFF90] =	vst v6;
	v6 =	vmul.f32 v9, v4;
	v9 =	vmov s5  }
0x145: {  	v2 =	vmul.f32 v2, v4;
	[tilespmem:s30+$0xFFFFFFA0] =	vst v8;
	v8 =	vmul.f32 v10, v4;
	v4 =	vand.u32 $0xFFFFFFFE, v9  }
0x146: {  	[tilespmem:s30+$0xFFFFFF80] =	vst v7;
	v4 =	vbroadcast v4, $0x0  }
0x147: {  	[tilespmem:s30+$0xFFFFFFB0] =	vst v6  }
0x148: {  	[tilespmem:s30+$0xFFFFFFC0] =	vst v3  }
0x149: {  	[tilespmem:s30+$0xFFFFFFD0] =	vst v5  }
.Ltmp3:
0x14a: {  	[tilespmem:s30+$0xFFFFFFF0] =	vst v2;
	v3 =	vld [tilespmem:s30+$0x40];
	(pc) =	sbr.rel @p2 .LBB2_5-.Ltmp3, $4  }
0x14b: {  	[tilespmem:s30+$0xFFFFFFE0] =	vst v8;
	v5 =	vld [tilespmem:s30+$0x60]  }
0x14c: {  	v2 =	vld.idx.msk [tilespmem:v4+s29+$0x0], $0xffff  }
0x14d: {  	v6 =	vld [tilespmem:s30+$0x0]  }
0x14e: {  	v4 =	vld [tilespmem:s30+$0x10]  }
0x14f: {  	_ =	sdelay $0x1  }
0x150: {  	v5 =	vmul.f32 v5, v2  }
0x151: {  	v7 =	vld [tilespmem:s25+$0x50];
	v3 =	vmul.f32 v3, v2  }
0x152: {  	v8 =	vld [tilespmem:s25+$0x70];
	v0 =	vmul.f32 v0, v2;
	[tilespmem:s25+$0x60] =	vst v5  }
0x153: {  	v5 =	vmul.f32 v6, v2;
	[tilespmem:s25+$0x40] =	vst v3  }
0x154: {  	s5 =	sadd.s32 $0x3, s28;
	[tilespmem:s25+$0x20] =	vst v0;
	v0 =	vmul.f32 v1, v2  }
0x155: {  	v4 =	vmul.f32 v4, v2;
	[tilespmem:s25+$0x0] =	vst v5;
	v5 =	vmov s5  }
0x156: {  	v3 =	vmul.f32 v7, v2;
	[tilespmem:s25+$0x30] =	vst v0  }
0x157: {  	v2 =	vmul.f32 v8, v2;
	[tilespmem:s25+$0x10] =	vst v4  }
0x158: {  	[tilespmem:s25+$0x50] =	vst v3  }
0x159: {  	v1 =	vld [tilespmem:s25+$0x80];
	[tilespmem:s25+$0x70] =	vst v2  }
0x15a: {  	v0 =	vld.idx.msk [tilespmem:v5+s29+$0x0], $0xffff  }
0x15b: {  	v2 =	vld [tilespmem:s25+$0xA0]  }
0x15c: {  	v3 =	vld [tilespmem:s25+$0xC0]  }
0x15d: {  	v4 =	vld [tilespmem:s25+$0xF0]  }
0x15e: {  	v5 =	vld [tilespmem:s25+$0xE0]  }
0x15f: {  	v6 =	vld [tilespmem:s25+$0x90];
	v1 =	vmul.f32 v1, v0  }
0x160: {  	v7 =	vld [tilespmem:s25+$0xB0];
	v2 =	vmul.f32 v2, v0  }
0x161: {  	v8 =	vld [tilespmem:s25+$0xD0];
	[tilespmem:s25+$0x80] =	vst v1;
	v1 =	vmul.f32 v3, v0  }
0x162: {  	[tilespmem:s25+$0xA0] =	vst v2;
	v2 =	vmul.f32 v4, v0  }
0x163: {  	v3 =	vmul.f32 v5, v0;
	[tilespmem:s25+$0xC0] =	vst v1  }
0x164: {  	v1 =	vmul.f32 v6, v0;
	[tilespmem:s25+$0xF0] =	vst v2  }
0x165: {  	v2 =	vmul.f32 v7, v0;
	[tilespmem:s25+$0xE0] =	vst v3  }
0x166: {  	v0 =	vmul.f32 v8, v0;
	[tilespmem:s25+$0x90] =	vst v1  }
0x167: {  	[tilespmem:s25+$0xB0] =	vst v2  }
0x168: {  	[tilespmem:s25+$0xD0] =	vst v0  }
0x169: {  	_ =	swait.ge [sflag:s16], $0x80  }
0x16a: {  	[sflag:s16] =	ssyncset.done $0x0  }
0x16b: {  	s31 =	simm.s32 $0x200;
	s30 =	simm.s32 $0x4480;
	[sflag:s16] =	ssyncadd.s32 $0xFFFFFF80  }
0x16c: {  	[spmem:s6] =	stream.indirect.scatter.add.f32 [tilespmem:s30], [sflag:$0x5], $0x80, s31, s26, $0xb8;
	[tilespmem:$0x1FD00] =	vst v63  }
0x16d: {  	_ =	swait.ge [sflag:s17], $0x4000  }
0x16e: {  	s20 =	simm.s32 @!p1 $0x0;
	[sflag:s17] =	ssyncset.done $0x0  }
0x16f: {  	s5 =	sadd.s32 @!p1 s2, s23;
	s23 =	simm.s32 @!p1 $0x180;
	[sflag:s17] =	ssyncadd.s32 $0xFFFFC000  }
0x170: {  	[tilespmem:s23], [sflag:$0x7] =	stream.linear.gather @!p1 [hbm4b:s5+s20], $0x80, $0x38;
	[tilespmem:$0x1FD00] =	vst v63  }
0x171: {  	s5 =	simm.s32 @!p1 $0xA  }
0x172: {  	_ =	swait.ge @!p1 [sflag:s5], $0x80  }
0x173: {  	[sflag:s5] =	ssyncset.done @!p1 $0x0  }
0x174: {  	[sflag:s5] =	ssyncadd.s32 @!p1 $0xFFFFFF80  }
0x175: {  	_ =	swait.ge @!p1 [sflag:s5], $0x80  }
0x176: {  	s14 =	sadd.s32 @!p1 $0x200, s14;
	[sflag:s5] =	ssyncset.done @!p1 $0x0  }
0x177: {  	s23 =	simm.s32 @!p1 $0x480;
	[sflag:s5] =	ssyncadd.s32 @!p1 $0xFFFFFF80;
	s5 =	simm.s32 @!p1 $0x80  }
0x178: {  	[tilespmem:s23], [sflag:$0x1] =	stream.indirect.gather @!p1 [hbm4b:s0+s5], $0x80, s20, s5, $0xb8;
	[tilespmem:$0x1FD00] =	vst v63  }
0x179: {  	s23 =	sadd.s32 @!p1 s8, s14  }
0x17a: {  	s25 =	simm.s32 $0x0;
	s23 =	sshrl.u32 @!p1 s23, $0x3  }
0x17b: {  	v0 =	vmov s25;
	s28 =	sadd.s32 @!p1 s1, s23  }
0x17c: {  	v0 =	vand.u32 $0xFFFFFFFC, v0;
	[tilespmem:s5], [sflag:$0xA] =	stream.linear.gather @!p1 [hbm4b:s28+s20], $0x80, $0x38;
	[tilespmem:$0x1FD00] =	vst v63  }
0x17d: {  	v0 =	vbroadcast v0, $0x0;
	s5 =	sadd.s32 @!p1 s4, s23;
	s23 =	simm.s32 @!p1 $0x380  }
0x17e: {  	[tilespmem:s23], [sflag:$0xA] =	stream.linear.gather @!p1 [hbm4b:s5+s20], $0x80, $0x38;
	[tilespmem:$0x1FD00] =	vst v63  }
0x17f: {  	_ =	swait.ge [sflag:s18], $0x4000  }
0x180: {  	[sflag:s18] =	ssyncset.done $0x0  }
0x181: {  	s23 =	simm.s32 $0x8580;
	[sflag:s18] =	ssyncadd.s32 $0xFFFFC000  }
0x182: {  	v1 =	vld [tilespmem:s23+$0xFFFFFF70]  }
0x183: {  	v0 =	vld.idx.msk [tilespmem:v0+s3+$0x0], $0xffff  }
0x184: {  	v2 =	vld [tilespmem:s23+$0xFFFFFF00]  }
0x185: {  	v3 =	vld [tilespmem:s23+$0xFFFFFF20]  }
0x186: {  	v4 =	vld [tilespmem:s23+$0xFFFFFF50]  }
0x187: {  	v5 =	vld [tilespmem:s23+$0xFFFFFF40]  }
0x188: {  	v6 =	vld [tilespmem:s23+$0xFFFFFF60];
	v1 =	vmul.f32 v1, v0  }
0x189: {  	s20 =	simm.s32 $0x1;
	v7 =	vld [tilespmem:s23+$0xFFFFFF30];
	v2 =	vmul.f32 v2, v0  }
0x18a: {  	v8 =	vld [tilespmem:s23+$0xFFFFFF10];
	v3 =	vmul.f32 v3, v0;
	[tilespmem:s23+$0xFFFFFF70] =	vst v1;
	v1 =	vmov s20  }
0x18b: {  	v4 =	vmul.f32 v4, v0;
	[tilespmem:s23+$0xFFFFFF00] =	vst v2;
	v1 =	vand.u32 $0xFFFFFFFD, v1  }
0x18c: {  	v2 =	vmul.f32 v5, v0;
	[tilespmem:s23+$0xFFFFFF20] =	vst v3;
	v1 =	vbroadcast v1, $0x0  }
0x18d: {  	v3 =	vmul.f32 v6, v0;
	[tilespmem:s23+$0xFFFFFF50] =	vst v4  }
0x18e: {  	v4 =	vmul.f32 v7, v0;
	[tilespmem:s23+$0xFFFFFF40] =	vst v2  }
0x18f: {  	v0 =	vmul.f32 v8, v0;
	[tilespmem:s23+$0xFFFFFF60] =	vst v3  }
0x190: {  	[tilespmem:s23+$0xFFFFFF30] =	vst v4  }
0x191: {  	[tilespmem:s23+$0xFFFFFF10] =	vst v0;
	v0 =	vld [tilespmem:s23+$0xFFFFFF90]  }
0x192: {  	v2 =	vld.idx.msk [tilespmem:v1+s3+$0x0], $0xffff  }
0x193: {  	v1 =	vld [tilespmem:s23+$0xFFFFFFA0]  }
0x194: {  	v3 =	vld [tilespmem:s23+$0xFFFFFF80]  }
0x195: {  	v4 =	vld [tilespmem:s23+$0xFFFFFFB0]  }
0x196: {  	v5 =	vld [tilespmem:s23+$0xFFFFFFC0]  }
0x197: {  	v6 =	vld [tilespmem:s23+$0xFFFFFFD0];
	v0 =	vmul.f32 v0, v2  }
0x198: {  	s30 =	simm.s32 $0x2;
	v7 =	vld [tilespmem:s23+$0xFFFFFFF0];
	v1 =	vmul.f32 v1, v2  }
0x199: {  	v8 =	vld [tilespmem:s23+$0xFFFFFFE0];
	v3 =	vmul.f32 v3, v2;
	[tilespmem:s23+$0xFFFFFF90] =	vst v0;
	v0 =	vmov s30  }
0x19a: {  	v4 =	vmul.f32 v4, v2;
	[tilespmem:s23+$0xFFFFFFA0] =	vst v1;
	v0 =	vand.u32 $0xFFFFFFFE, v0  }
0x19b: {  	v1 =	vmul.f32 v5, v2;
	[tilespmem:s23+$0xFFFFFF80] =	vst v3;
	v5 =	vld [tilespmem:s23+$0x60];
	v9 =	vbroadcast v0, $0x0  }
0x19c: {  	v3 =	vmul.f32 v6, v2;
	[tilespmem:s23+$0xFFFFFFB0] =	vst v4;
	v6 =	vld [tilespmem:s23+$0x0]  }
0x19d: {  	v4 =	vmul.f32 v7, v2;
	v0 =	vld [tilespmem:s23+$0x20];
	[tilespmem:s23+$0xFFFFFFC0] =	vst v1  }
0x19e: {  	v2 =	vmul.f32 v8, v2;
	v1 =	vld [tilespmem:s23+$0x30];
	[tilespmem:s23+$0xFFFFFFD0] =	vst v3  }
0x19f: {  	[tilespmem:s23+$0xFFFFFFF0] =	vst v4;
	v3 =	vld [tilespmem:s23+$0x40]  }
0x1a0: {  	[tilespmem:s23+$0xFFFFFFE0] =	vst v2;
	v4 =	vld [tilespmem:s23+$0x10]  }
0x1a1: {  	s14 =	simm.s32 @p1 $0x2900;
	s28 =	simm.s32 $0x8580;
	s20 =	simm.s32 $0x4;
	v2 =	vld.idx.msk [tilespmem:v9+s3+$0x0], $0xffff  }
.LBB2_7:
0x1a2: {  	p2 =	sne.s32 s20, $0x7C  }
0x1a3: {  	v7 =	vld [tilespmem:s23+$0x50];
	s28 =	sadd.s32 $0x200, s28;
	s5 =	smov.u32 s20;
	s20 =	sadd.s32 $0x4, s20  }
0x1a4: {  	v8 =	vld [tilespmem:s23+$0x70];
	_ =	sdelay $0x1  }
0x1a5: {  	v5 =	vmul.f32 v5, v2;
	v6 =	vmul.f32 v6, v2  }
0x1a6: {  	v3 =	vmul.f32 v3, v2;
	v4 =	vmul.f32 v4, v2  }
0x1a7: {  	v0 =	vmul.f32 v0, v2;
	v1 =	vmul.f32 v1, v2;
	[tilespmem:s23+$0x60] =	vst v5  }
0x1a8: {  	[tilespmem:s23+$0x40] =	vst v3;
	v3 =	vmul.f32 v7, v2;
	v2 =	vmul.f32 v8, v2  }
0x1a9: {  	s30 =	sadd.s32 $0x3, s25;
	s25 =	smov.u32 s5;
	[tilespmem:s23+$0x20] =	vst v0;
	v5 =	vld [tilespmem:s23+$0x80]  }
0x1aa: {  	v0 =	vld [tilespmem:s28+$0x20];
	[tilespmem:s23+$0x0] =	vst v6;
	v6 =	vmov s30  }
0x1ab: {  	[tilespmem:s23+$0x50] =	vst v3;
	v3 =	vld [tilespmem:s23+$0xE0]  }
0x1ac: {  	[tilespmem:s23+$0x30] =	vst v1;
	v7 =	vld [tilespmem:s23+$0xC0]  }
0x1ad: {  	v1 =	vld [tilespmem:s28+$0x30];
	[tilespmem:s23+$0x10] =	vst v4  }
0x1ae: {  	[tilespmem:s23+$0x70] =	vst v2;
	v2 =	vld [tilespmem:s23+$0xA0]  }
0x1af: {  	v4 =	vld.idx.msk [tilespmem:v6+s3+$0x0], $0xffff  }
0x1b0: {  	v6 =	vld [tilespmem:s23+$0x90]  }
0x1b1: {  	v8 =	vld [tilespmem:s23+$0xB0]  }
0x1b2: {  	v9 =	vld [tilespmem:s23+$0xD0]  }
0x1b3: {  	v10 =	vld [tilespmem:s23+$0xF0];
	_ =	sdelay $0x1  }
0x1b4: {  	v5 =	vmul.f32 v5, v4;
	v6 =	vmul.f32 v6, v4  }
0x1b5: {  	v2 =	vmul.f32 v2, v4;
	v8 =	vmul.f32 v8, v4  }
0x1b6: {  	v11 =	vmov s25;
	[tilespmem:s23+$0x80] =	vst v5;
	v5 =	vmul.f32 v7, v4;
	v7 =	vmul.f32 v9, v4  }
0x1b7: {  	v9 =	vand.u32 $0xFFFFFFFC, v11;
	[tilespmem:s23+$0xA0] =	vst v2;
	v2 =	vmul.f32 v3, v4;
	v3 =	vmul.f32 v10, v4  }
0x1b8: {  	v4 =	vbroadcast v9, $0x0;
	[tilespmem:s23+$0xC0] =	vst v5  }
0x1b9: {  	[tilespmem:s23+$0xF0] =	vst v3  }
0x1ba: {  	v3 =	vld [tilespmem:s28+$0xFFFFFF40];
	[tilespmem:s23+$0xE0] =	vst v2  }
0x1bb: {  	v2 =	vld [tilespmem:s28+$0xFFFFFF50];
	[tilespmem:s23+$0x90] =	vst v6  }
0x1bc: {  	v5 =	vld [tilespmem:s28+$0xFFFFFF60];
	[tilespmem:s23+$0xB0] =	vst v8  }
0x1bd: {  	v6 =	vld [tilespmem:s28+$0xFFFFFF70];
	[tilespmem:s23+$0xD0] =	vst v7;
	s23 =	smov.u32 s28  }
0x1be: {  	v4 =	vld.idx.msk [tilespmem:v4+s3+$0x0], $0xffff  }
0x1bf: {  	v7 =	vld [tilespmem:s28+$0xFFFFFF00]  }
0x1c0: {  	v8 =	vld [tilespmem:s28+$0xFFFFFF20]  }
0x1c1: {  	v9 =	vld [tilespmem:s28+$0xFFFFFF10]  }
0x1c2: {  	v10 =	vld [tilespmem:s28+$0xFFFFFF30];
	_ =	sdelay $0x1  }
0x1c3: {  	v6 =	vmul.f32 v6, v4;
	v7 =	vmul.f32 v7, v4  }
0x1c4: {  	s5 =	sadd.s32 $0x1, s25;
	v5 =	vmul.f32 v5, v4;
	v8 =	vmul.f32 v8, v4  }
0x1c5: {  	v2 =	vmul.f32 v2, v4;
	v9 =	vmul.f32 v9, v4;
	[tilespmem:s28+$0xFFFFFF70] =	vst v6;
	v6 =	vmov s5  }
0x1c6: {  	v3 =	vmul.f32 v3, v4;
	[tilespmem:s28+$0xFFFFFF00] =	vst v7;
	v7 =	vmul.f32 v10, v4;
	v4 =	vand.u32 $0xFFFFFFFD, v6  }
0x1c7: {  	[tilespmem:s28+$0xFFFFFF20] =	vst v8;
	v4 =	vbroadcast v4, $0x0  }
0x1c8: {  	[tilespmem:s28+$0xFFFFFF50] =	vst v2  }
0x1c9: {  	[tilespmem:s28+$0xFFFFFF40] =	vst v3;
	v2 =	vld [tilespmem:s28+$0xFFFFFFF0]  }
0x1ca: {  	[tilespmem:s28+$0xFFFFFF60] =	vst v5;
	v3 =	vld [tilespmem:s28+$0xFFFFFFC0]  }
0x1cb: {  	[tilespmem:s28+$0xFFFFFF30] =	vst v7;
	v5 =	vld [tilespmem:s28+$0xFFFFFFD0]  }
0x1cc: {  	[tilespmem:s28+$0xFFFFFF10] =	vst v9;
	v6 =	vld [tilespmem:s28+$0xFFFFFF90]  }
0x1cd: {  	v4 =	vld.idx.msk [tilespmem:v4+s3+$0x0], $0xffff  }
0x1ce: {  	v7 =	vld [tilespmem:s28+$0xFFFFFF80]  }
0x1cf: {  	v8 =	vld [tilespmem:s28+$0xFFFFFFA0]  }
0x1d0: {  	v9 =	vld [tilespmem:s28+$0xFFFFFFB0]  }
0x1d1: {  	v10 =	vld [tilespmem:s28+$0xFFFFFFE0];
	_ =	sdelay $0x1  }
0x1d2: {  	v6 =	vmul.f32 v6, v4;
	v7 =	vmul.f32 v7, v4  }
0x1d3: {  	s5 =	sadd.s32 $0x2, s25;
	v5 =	vmul.f32 v5, v4;
	v8 =	vmul.f32 v8, v4  }
0x1d4: {  	v3 =	vmul.f32 v3, v4;
	[tilespmem:s28+$0xFFFFFF90] =	vst v6;
	v6 =	vmul.f32 v9, v4;
	v9 =	vmov s5  }
0x1d5: {  	v2 =	vmul.f32 v2, v4;
	[tilespmem:s28+$0xFFFFFFA0] =	vst v8;
	v8 =	vmul.f32 v10, v4;
	v4 =	vand.u32 $0xFFFFFFFE, v9  }
0x1d6: {  	[tilespmem:s28+$0xFFFFFF80] =	vst v7;
	v4 =	vbroadcast v4, $0x0  }
0x1d7: {  	[tilespmem:s28+$0xFFFFFFB0] =	vst v6  }
0x1d8: {  	[tilespmem:s28+$0xFFFFFFC0] =	vst v3  }
0x1d9: {  	[tilespmem:s28+$0xFFFFFFD0] =	vst v5  }
.Ltmp4:
0x1da: {  	[tilespmem:s28+$0xFFFFFFF0] =	vst v2;
	v3 =	vld [tilespmem:s28+$0x40];
	(pc) =	sbr.rel @p2 .LBB2_7-.Ltmp4, $4  }
0x1db: {  	[tilespmem:s28+$0xFFFFFFE0] =	vst v8;
	v5 =	vld [tilespmem:s28+$0x60]  }
0x1dc: {  	v2 =	vld.idx.msk [tilespmem:v4+s3+$0x0], $0xffff  }
0x1dd: {  	v6 =	vld [tilespmem:s28+$0x0]  }
0x1de: {  	v4 =	vld [tilespmem:s28+$0x10]  }
0x1df: {  	_ =	sdelay $0x1  }
0x1e0: {  	v5 =	vmul.f32 v5, v2  }
0x1e1: {  	v7 =	vld [tilespmem:s23+$0x50];
	v3 =	vmul.f32 v3, v2  }
0x1e2: {  	v8 =	vld [tilespmem:s23+$0x70];
	v0 =	vmul.f32 v0, v2;
	[tilespmem:s23+$0x60] =	vst v5  }
0x1e3: {  	v48 =	vmul.f32 v1, v2;
	[tilespmem:s23+$0x40] =	vst v3  }
0x1e4: {  	s5 =	sadd.s32 $0x3, s25;
	v46 =	vmul.f32 v6, v2;
	[tilespmem:s23+$0x20] =	vst v0  }
0x1e5: {  	v50 =	vmov s5;
	v4 =	vmul.f32 v4, v2;
	[tilespmem:s23+$0x30] =	vst v48  }
0x1e6: {  	v47 =	vmul.f32 v7, v2;
	[tilespmem:s23+$0x0] =	vst v46  }
0x1e7: {  	v51 =	vmul.f32 v8, v2;
	[tilespmem:s23+$0x10] =	vst v4  }
0x1e8: {  	[tilespmem:s23+$0x50] =	vst v47  }
0x1e9: {  	v49 =	vld [tilespmem:s23+$0x80];
	[tilespmem:s23+$0x70] =	vst v51  }
0x1ea: {  	v0 =	vld.idx.msk [tilespmem:v50+s3+$0x0], $0xffff  }
0x1eb: {  	v52 =	vld [tilespmem:s23+$0xA0]  }
0x1ec: {  	v53 =	vld [tilespmem:s23+$0xC0]  }
0x1ed: {  	v54 =	vld [tilespmem:s23+$0xF0]  }
0x1ee: {  	v55 =	vld [tilespmem:s23+$0xE0]  }
0x1ef: {  	v56 =	vld [tilespmem:s23+$0x90];
	v1 =	vmul.f32 v49, v0  }
0x1f0: {  	v57 =	vld [tilespmem:s23+$0xB0];
	v2 =	vmul.f32 v52, v0  }
0x1f1: {  	v58 =	vld [tilespmem:s23+$0xD0];
	v59 =	vmul.f32 v53, v0;
	[tilespmem:s23+$0x80] =	vst v1  }
0x1f2: {  	v60 =	vmul.f32 v54, v0;
	[tilespmem:s23+$0xA0] =	vst v2  }
0x1f3: {  	v61 =	vmul.f32 v55, v0;
	[tilespmem:s23+$0xC0] =	vst v59  }
0x1f4: {  	v62 =	vmul.f32 v56, v0;
	[tilespmem:s23+$0xF0] =	vst v60  }
0x1f5: {  	v63 =	vmul.f32 v57, v0;
	[tilespmem:s23+$0xE0] =	vst v61  }
0x1f6: {  	v0 =	vmul.f32 v58, v0;
	[tilespmem:s23+$0x90] =	vst v62  }
0x1f7: {  	[tilespmem:s23+$0xB0] =	vst v63  }
0x1f8: {  	[tilespmem:s23+$0xD0] =	vst v0  }
0x1f9: {  	_ =	swait.ge [sflag:s19], $0x80  }
0x1fa: {  	[sflag:s19] =	ssyncset.done $0x0  }
.Ltmp5:
0x1fb: {  	[sflag:s19] =	ssyncadd.s32 $0xFFFFFF80;
	(pc) =	sbr.rel @p1 .LBB2_10-.Ltmp5, $4  }
0x1fc: {  	[spmem:s6] =	stream.indirect.scatter.add.f32 [tilespmem:s13], [sflag:$0x6], $0x80, s11, s26, $0xb8;
	[tilespmem:$0x1FD00] =	vst v63  }
0x1fd: {  	_ =	swait.ge [sflag:s22], $0x4000  }
0x1fe: {  	[sflag:s22] =	ssyncset.done $0x0  }
0x1ff: {  	[sflag:s22] =	ssyncadd.s32 $0xFFFFC000  }
0x200: {  	s5 =	sadd.s32 s8, s14  }
0x201: {  	s5 =	sshrl.u32 s5, $0x3  }
0x202: {  	s5 =	sadd.s32 s2, s5  }
0x203: {  	[tilespmem:s31], [sflag:$0x8] =	stream.linear.gather [hbm4b:s5+s7], $0x80, $0x38;
	[tilespmem:$0x1FD00] =	vst v63  }
0x204: {  	_ =	swait.ge [sflag:s12], $0x80  }
0x205: {  	[sflag:s12] =	ssyncset.done $0x0  }
.Ltmp6:
0x206: {  	[sflag:s12] =	ssyncadd.s32 $0xFFFFFF80;
	(pc) =	sbr.rel .LBB2_2-.Ltmp6, $4  }
0x207: {  	_ =	swait.ge [sflag:s12], $0x80  }
0x208: {  	[sflag:s12] =	ssyncset.done $0x0  }
0x209: {  	s21 =	sadd.s32 $0x1, s21;
	s31 =	simm.s32 $0x4480;
	[sflag:s12] =	ssyncadd.s32 $0xFFFFFF80  }
0x20a: {  	[tilespmem:s31], [sflag:$0x2] =	stream.indirect.gather [hbm4b:s0+s26], $0x80, s26, s26, $0xb8;
	[tilespmem:$0x1FD00] =	vst v63  }
.LBB2_11:
0x20b: {  	_ =	sfence.sel $0x180000  }
0x20c: {  	[bflag:$0x0] =	sbarrier.arrive $0xFFFF  }
0x20d: {  	_ =	strace $0x90000047  }
0x20e: {  	s0 =	stileid.u32;
	[bflag:$0x2] =	sbarrier.arrive $0xFFFF  }
0x20f: {  	p0 =	sne.s32 s0, $0x0;
	s0 =	rddreg [dreg:$0x7]  }
0x210: {  	s0 =	sadd.s32 @!p0 $0x100000, s0  }
0x211: {  	[sflag:s0] =	ssyncadd.tile.s32 @!p0 $0x1;
	_ =	shalt  }
.Lfunc_end2:
_tile_overlayer_lowered:
.L_overlay_start_2:
0x212: {  	(tag) =	ssettag $0x2  }
0x213: {  	s0 =	rddreg [dreg:$0x0];
	s2 =	stileid.u32  }
0x214: {  	s1 =	rddreg [dreg:$0x1];
	p0 =	sne.s32 s2, $0x0  }
0x215: {  	s3 =	rddreg [dreg:$0x2];
	[bflag:$0x3] =	sbarrier.arrive $0xFFFF;
	s2 =	simm.s32 @!p0 $0x1C0B  }
0x216: {  	[timem:s3], [sflag:s2] =	dma.local @!p0 [hbm:s0], s1  }
0x217: {  	s0 =	simm.s32 @!p0 $0xB  }
0x218: {  	_ =	swait.ge @!p0 [sflag:s0], s1  }
0x219: {  	s1 =	ssub.s32 @!p0 $0x0, s1;
	[sflag:s0] =	ssyncset.done @!p0 $0x0  }
0x21a: {  	[sflag:s0] =	ssyncadd.s32 @!p0 s1  }
0x21b: {  	[bflag:$0x3] =	sbarrier.arrive $0xFFFF  }
0x21c: {  	_ =	shalt  }

</sc_bundles>
